<compile_context>
chip_gen: v7x
topology: tpu7x:2x2x1
jax: 0.10.2.dev20260603
libtpu: 0.0.44.dev20260713+nightly
codegen_flags: <defaults>
</compile_context>

<pallas_src>
import jax
import jax.numpy as jnp
from jax import lax
from jax.experimental import pallas as pl
from jax.experimental.pallas import tpu as pltpu
from jax.experimental.pallas import tpu_sc as plsc

N = 10000
NPAD = 10008
E = 320000
H = 8
C = 4
NC = 2
NS = 16
NW = NC * NS
CHUNK = 128
CPW = 79
EPW = CPW * CHUNK
EPAD = NW * EPW
RPT = 632

_mesh = plsc.VectorSubcoreMesh(core_axis_name="c", subcore_axis_name="s")


def _agg_body(table_h, src_h, dst_h, zero_h, out_h,
              acc_sh, src_v, dst_v, buf_a, buf_b, ztmp_v, sem_a, sem_b):
    c = lax.axis_index("c")
    s = lax.axis_index("s")
    w = c * NS + s
    base = jnp.minimum(s * RPT, N - RPT)
    pltpu.sync_copy(zero_h.at[pl.ds(base, RPT)], ztmp_v)
    pltpu.sync_copy(ztmp_v, acc_sh.at[pl.ds(base, RPT)])
    pltpu.sync_copy(src_h.at[w], src_v)
    pltpu.sync_copy(dst_h.at[w], dst_v)
    plsc.subcore_barrier()

    pltpu.async_copy(table_h.at[src_v.at[0]], buf_a, sem_a)

    def chunk(j, carry):
        @pl.when(j % 2 == 0)
        def _():
            pltpu.make_async_copy(table_h.at[src_v.at[j]], buf_a, sem_a).wait()

            @pl.when(j + 1 < CPW)
            def _():
                pltpu.async_copy(table_h.at[src_v.at[j + 1]], buf_b, sem_b)

            pltpu.sync_copy(buf_a, acc_sh.at[dst_v.at[j]], add=True)

        @pl.when(j % 2 == 1)
        def _():
            pltpu.make_async_copy(table_h.at[src_v.at[j]], buf_b, sem_b).wait()

            @pl.when(j + 1 < CPW)
            def _():
                pltpu.async_copy(table_h.at[src_v.at[j + 1]], buf_a, sem_a)

            pltpu.sync_copy(buf_b, acc_sh.at[dst_v.at[j]], add=True)

        return carry

    lax.fori_loop(0, CPW, chunk, 0)
    plsc.subcore_barrier()
    pltpu.sync_copy(acc_sh.at[pl.ds(base, RPT)], ztmp_v)
    pltpu.sync_copy(ztmp_v, out_h.at[c, pl.ds(base, RPT)])


_agg = pl.kernel(
    _agg_body,
    out_type=jax.ShapeDtypeStruct((NC, N, H), jnp.float32),
    mesh=_mesh,
    compiler_params=pltpu.CompilerParams(use_tc_tiling_on_sc=False),
    scratch_types=[
        pltpu.VMEM_SHARED((NPAD, H), jnp.float32),
        pltpu.VMEM((CPW, CHUNK), jnp.int32),
        pltpu.VMEM((CPW, CHUNK), jnp.int32),
        pltpu.VMEM((CHUNK, H), jnp.float32),
        pltpu.VMEM((CHUNK, H), jnp.float32),
        pltpu.VMEM((RPT, H), jnp.float32),
        pltpu.SemaphoreType.DMA,
        pltpu.SemaphoreType.DMA,
    ],
)


def _deg_body(dst_h, ones_h, zero_h, out_h, acc_sh, dst_v, obuf, ztmp_v):
    c = lax.axis_index("c")
    s = lax.axis_index("s")
    w = c * NS + s
    base = jnp.minimum(s * RPT, N - RPT)
    pltpu.sync_copy(zero_h.at[pl.ds(base, RPT)], ztmp_v)
    pltpu.sync_copy(ztmp_v, acc_sh.at[pl.ds(base, RPT)])
    pltpu.sync_copy(ones_h, obuf)
    pltpu.sync_copy(dst_h.at[w], dst_v)
    plsc.subcore_barrier()

    def chunk(j, carry):
        pltpu.sync_copy(obuf, acc_sh.at[dst_v.at[j]], add=True)
        return carry

    lax.fori_loop(0, CPW, chunk, 0)
    plsc.subcore_barrier()
    pltpu.sync_copy(acc_sh.at[pl.ds(base, RPT)], ztmp_v)
    pltpu.sync_copy(ztmp_v, out_h.at[c, pl.ds(base, RPT)])


_deg = pl.kernel(
    _deg_body,
    out_type=jax.ShapeDtypeStruct((NC, N, H), jnp.float32),
    mesh=_mesh,
    compiler_params=pltpu.CompilerParams(use_tc_tiling_on_sc=False),
    scratch_types=[
        pltpu.VMEM_SHARED((NPAD, H), jnp.float32),
        pltpu.VMEM((CPW, CHUNK), jnp.int32),
        pltpu.VMEM((CHUNK, H), jnp.float32),
        pltpu.VMEM((RPT, H), jnp.float32),
    ],
)


def _stage1_body(deg_ref, x_ref, w1_ref, dinv_ref, hn_ref):
    deg = deg_ref[0][:, 0:1] + deg_ref[1][:, 0:1] + 1.0
    dinv = lax.rsqrt(deg)
    dinv_ref[...] = dinv
    hn = jnp.dot(x_ref[...], w1_ref[...], preferred_element_type=jnp.float32)
    hn_ref[pl.ds(0, N), :] = hn * dinv
    hn_ref[pl.ds(N, NPAD - N), :] = jnp.zeros((NPAD - N, H), jnp.float32)


_stage1 = pl.pallas_call(
    _stage1_body,
    out_shape=[jax.ShapeDtypeStruct((N, 1), jnp.float32),
               jax.ShapeDtypeStruct((NPAD, H), jnp.float32)],
)


def _mid_body(a_ref, hn_ref, dinv_ref, w_ref, b_ref, out_ref):
    agg = a_ref[0] + a_ref[1] + hn_ref[pl.ds(0, N), :]
    dinv = dinv_ref[...]
    y = jnp.tanh(agg * dinv + b_ref[...])
    hn2 = jnp.dot(y, w_ref[...], preferred_element_type=jnp.float32) * dinv
    out_ref[pl.ds(0, N), :] = hn2
    out_ref[pl.ds(N, NPAD - N), :] = jnp.zeros((NPAD - N, H), jnp.float32)


_mid = pl.pallas_call(
    _mid_body,
    out_shape=jax.ShapeDtypeStruct((NPAD, H), jnp.float32),
)


def _fin_body(a_ref, hn_ref, dinv_ref, b_ref, wc_ref, bc_ref, out_ref):
    agg = a_ref[0] + a_ref[1] + hn_ref[pl.ds(0, N), :]
    y = jnp.tanh(agg * dinv_ref[...] + b_ref[...])
    out_ref[...] = jnp.dot(y, wc_ref[...], preferred_element_type=jnp.float32) + bc_ref[...]


_fin = pl.pallas_call(
    _fin_body,
    out_shape=jax.ShapeDtypeStruct((N, C), jnp.float32),
)


def kernel(x, edge_index, W1, b1, W2, b2, W3, b3, Wc, bc):
    src = edge_index[0].astype(jnp.int32)
    dst = edge_index[1].astype(jnp.int32)
    pad = EPAD - E
    src_p = jnp.concatenate([src, jnp.full((pad,), N, jnp.int32)]).reshape(NW, CPW, CHUNK)
    dst_p = jnp.concatenate([dst, jnp.full((pad,), N, jnp.int32)]).reshape(NW, CPW, CHUNK)
    zeros_nh = jnp.zeros((N, H), jnp.float32)
    ones_ch = jnp.ones((CHUNK, H), jnp.float32)

    deg2 = _deg(dst_p, ones_ch, zeros_nh)
    dinv, hn1 = _stage1(deg2, x, W1)
    a1 = _agg(hn1, src_p, dst_p, zeros_nh)
    hn2 = _mid(a1, hn1, dinv, W2, b1.reshape(1, H))
    a2 = _agg(hn2, src_p, dst_p, zeros_nh)
    hn3 = _mid(a2, hn2, dinv, W3, b2.reshape(1, H))
    a3 = _agg(hn3, src_p, dst_p, zeros_nh)
    out = _fin(a3, hn3, dinv, b3.reshape(1, H), Wc, bc.reshape(1, C))
    return out

# --- scband reference (transcript-rebuilt; emitter-appended) ---
"""Pipeline reference for scband-gcn-20023137534525 (READ-ONLY COPY).

The authoritative reference and input builder live on the scoring server;
editing this copy changes nothing except your own understanding.
"""

import jax, jax.numpy as jnp
import numpy as np

N = 10000
E = 320000
D = 128
H = 8
C = 4


def setup_inputs(seed: int = 0) -> dict:
    key = jax.random.key(seed)
    ks = jax.random.split(key, 12)
    x = jax.random.normal(ks[0], (N, D), dtype=jnp.float32)
    edge_index = jax.random.randint(ks[1], (2, E), 0, N)
    W1 = jax.random.normal(ks[2], (D, H), dtype=jnp.float32) * (1.0 / np.sqrt(D))
    b1 = jnp.zeros((H,), dtype=jnp.float32)
    W2 = jax.random.normal(ks[3], (H, H), dtype=jnp.float32) * (1.0 / np.sqrt(H))
    b2 = jnp.zeros((H,), dtype=jnp.float32)
    W3 = jax.random.normal(ks[4], (H, H), dtype=jnp.float32) * (1.0 / np.sqrt(H))
    b3 = jnp.zeros((H,), dtype=jnp.float32)
    Wc = jax.random.normal(ks[5], (H, C), dtype=jnp.float32) * (1.0 / np.sqrt(H))
    bc = jnp.zeros((C,), dtype=jnp.float32)
    return {"x": x, "edge_index": edge_index, "W1": W1, "b1": b1, "W2": W2, "b2": b2, "W3": W3, "b3": b3, "Wc": Wc, "bc": bc}


def gcn_conv(x, edge_index, W, b):
    # Faithful GCNConv: linear transform, add self-loops, symmetric deg normalization, scatter-add aggregate, add bias.
    n = x.shape[0]
    loop = jnp.arange(n, dtype=edge_index.dtype)
    src = jnp.concatenate([edge_index[0], loop])
    dst = jnp.concatenate([edge_index[1], loop])
    deg = jnp.zeros((n,), dtype=x.dtype).at[dst].add(1.0)
    dinv = jnp.where(deg > 0, jax.lax.rsqrt(jnp.maximum(deg, 1e-12)), 0.0)
    norm = dinv[src] * dinv[dst]
    h = x @ W
    msg = h[src] * norm[:, None]
    out = jnp.zeros((n, h.shape[1]), dtype=x.dtype).at[dst].add(msg)
    return out + b


def reference(x, edge_index, W1, b1, W2, b2, W3, b3, Wc, bc):
    y = jnp.tanh(gcn_conv(x, edge_index, W1, b1))
    y = jnp.tanh(gcn_conv(y, edge_index, W2, b2))
    y = jnp.tanh(gcn_conv(y, edge_index, W3, b3))
    out = y @ Wc + bc
    return out

if __name__ == "__main__":
    import jax
    _d = setup_inputs()
    print(jax.jit(kernel)(*tuple(_d.values())))

</pallas_src>

<mosaic_0001>
#map = affine_map<(d0, d1) -> (0, 0, 0)>
#map1 = affine_map<(d0, d1) -> (0, 0)>
module attributes {stable_mosaic.version = 14 : i64} {
  func.func @_deg_body(%arg0: i32, %arg1: i32, %arg2: memref<32x79x128xi32, #tpu.memory_space<hbm>>, %arg3: memref<128x8xf32, #tpu.memory_space<hbm>>, %arg4: memref<10000x8xf32, #tpu.memory_space<hbm>>, %arg5: memref<2x10000x8xf32, #tpu.memory_space<hbm>>, %arg6: memref<10008x8xf32, #tpu.memory_space<vmem_shared>>, %arg7: memref<79x128xi32, #tpu.memory_space<vmem>>, %arg8: memref<128x8xf32, #tpu.memory_space<vmem>>, %arg9: memref<632x8xf32, #tpu.memory_space<vmem>>) attributes {dimension_semantics = [#tpu.dimension_semantics<core_parallel>, #tpu.dimension_semantics<subcore_parallel>], iteration_bounds = array<i64: 2, 16>, scalar_prefetch = 0 : i64, scratch_operands = 4 : i64, tpu.core_type = #tpu.core_type<sc_vector_subcore>, window_params = [{transform_indices = #map}, {transform_indices = #map1}, {transform_indices = #map1}, {transform_indices = #map}]} {
    %mul3A = arith.constant 16 : i32
    %mul3A_0 = arith.muli %arg0, %mul3A : i32
    %add3A = arith.addi %mul3A_0, %arg1 : i32
    %mul3A_1 = arith.constant 632 : i32
    %mul3A_2 = arith.muli %arg1, %mul3A_1 : i32
    %min3A = arith.constant 9368 : i32
    %min3A_3 = arith.minsi %mul3A_2, %min3A : i32
    "tpu.region"() ({
      %run_scoped3A = tpu.sem_alloc : memref<!tpu.dma_semaphore, #tpu.memory_space<semaphore_mem>>
      %dma_start3A = arith.constant 0 : i32
      %dma_start3A_10 = tpu.memref_slice %arg4[%min3A_3, %dma_start3A] : memref<10000x8xf32, #tpu.memory_space<hbm>> -> memref<632x8xf32, #tpu.memory_space<hbm>>
      %dma_start3A_11 = arith.constant 0 : i32
      %dma_start3A_12 = tpu.memref_slice %arg4[%min3A_3, %dma_start3A_11] : memref<10000x8xf32, #tpu.memory_space<hbm>> -> memref<632x8xf32, #tpu.memory_space<hbm>>
      tpu.enqueue_dma source(%dma_start3A_12 : memref<632x8xf32, #tpu.memory_space<hbm>>) target(%arg9 : memref<632x8xf32, #tpu.memory_space<vmem>>) target_semaphore(%run_scoped3A : memref<!tpu.dma_semaphore, #tpu.memory_space<semaphore_mem>>)
      %dma_wait3A = arith.constant 0 : i32
      %dma_wait3A_13 = tpu.memref_slice %arg4[%min3A_3, %dma_wait3A] : memref<10000x8xf32, #tpu.memory_space<hbm>> -> memref<632x8xf32, #tpu.memory_space<hbm>>
      %dma_wait3A_14 = arith.constant 0 : i32
      %dma_wait3A_15 = tpu.memref_slice %arg4[%min3A_3, %dma_wait3A_14] : memref<10000x8xf32, #tpu.memory_space<hbm>> -> memref<632x8xf32, #tpu.memory_space<hbm>>
      tpu.wait_dma2 semaphore(%run_scoped3A : memref<!tpu.dma_semaphore, #tpu.memory_space<semaphore_mem>>) src(%dma_wait3A_15 : memref<632x8xf32, #tpu.memory_space<hbm>>) dst(%arg9 : memref<632x8xf32, #tpu.memory_space<vmem>>)
      tpu.yield
    }) : () -> ()
    "tpu.region"() ({
      %run_scoped3A = tpu.sem_alloc : memref<!tpu.dma_semaphore, #tpu.memory_space<semaphore_mem>>
      %dma_start3A = arith.constant 0 : i32
      %dma_start3A_10 = tpu.memref_slice %arg6[%min3A_3, %dma_start3A] : memref<10008x8xf32, #tpu.memory_space<vmem_shared>> -> memref<632x8xf32, #tpu.memory_space<vmem_shared>>
      %dma_start3A_11 = arith.constant 0 : i32
      %dma_start3A_12 = tpu.memref_slice %arg6[%min3A_3, %dma_start3A_11] : memref<10008x8xf32, #tpu.memory_space<vmem_shared>> -> memref<632x8xf32, #tpu.memory_space<vmem_shared>>
      tpu.enqueue_dma source(%arg9 : memref<632x8xf32, #tpu.memory_space<vmem>>) target(%dma_start3A_12 : memref<632x8xf32, #tpu.memory_space<vmem_shared>>) target_semaphore(%run_scoped3A : memref<!tpu.dma_semaphore, #tpu.memory_space<semaphore_mem>>)
      %dma_wait3A = arith.constant 0 : i32
      %dma_wait3A_13 = tpu.memref_slice %arg6[%min3A_3, %dma_wait3A] : memref<10008x8xf32, #tpu.memory_space<vmem_shared>> -> memref<632x8xf32, #tpu.memory_space<vmem_shared>>
      %dma_wait3A_14 = arith.constant 0 : i32
      %dma_wait3A_15 = tpu.memref_slice %arg6[%min3A_3, %dma_wait3A_14] : memref<10008x8xf32, #tpu.memory_space<vmem_shared>> -> memref<632x8xf32, #tpu.memory_space<vmem_shared>>
      tpu.wait_dma2 semaphore(%run_scoped3A : memref<!tpu.dma_semaphore, #tpu.memory_space<semaphore_mem>>) src(%arg9 : memref<632x8xf32, #tpu.memory_space<vmem>>) dst(%dma_wait3A_15 : memref<632x8xf32, #tpu.memory_space<vmem_shared>>)
      tpu.yield
    }) : () -> ()
    "tpu.region"() ({
      %run_scoped3A = tpu.sem_alloc : memref<!tpu.dma_semaphore, #tpu.memory_space<semaphore_mem>>
      tpu.enqueue_dma source(%arg3 : memref<128x8xf32, #tpu.memory_space<hbm>>) target(%arg8 : memref<128x8xf32, #tpu.memory_space<vmem>>) target_semaphore(%run_scoped3A : memref<!tpu.dma_semaphore, #tpu.memory_space<semaphore_mem>>)
      tpu.wait_dma2 semaphore(%run_scoped3A : memref<!tpu.dma_semaphore, #tpu.memory_space<semaphore_mem>>) src(%arg3 : memref<128x8xf32, #tpu.memory_space<hbm>>) dst(%arg8 : memref<128x8xf32, #tpu.memory_space<vmem>>)
      tpu.yield
    }) : () -> ()
    "tpu.region"() ({
      %run_scoped3A = tpu.sem_alloc : memref<!tpu.dma_semaphore, #tpu.memory_space<semaphore_mem>>
      %dma_start3A = arith.constant 0 : i32
      %dma_start3A_10 = arith.constant 0 : i32
      %dma_start3A_11 = tpu.memref_slice %arg2[%add3A, %dma_start3A, %dma_start3A_10] : memref<32x79x128xi32, #tpu.memory_space<hbm>> -> memref<1x79x128xi32, #tpu.memory_space<hbm>>
      %dma_start3A_12 = tpu.memref_squeeze %dma_start3A_11 : memref<1x79x128xi32, #tpu.memory_space<hbm>> -> memref<79x128xi32, #tpu.memory_space<hbm>>
      %dma_start3A_13 = arith.constant 0 : i32
      %dma_start3A_14 = arith.constant 0 : i32
      %dma_start3A_15 = tpu.memref_slice %arg2[%add3A, %dma_start3A_13, %dma_start3A_14] : memref<32x79x128xi32, #tpu.memory_space<hbm>> -> memref<1x79x128xi32, #tpu.memory_space<hbm>>
      %dma_start3A_16 = tpu.memref_squeeze %dma_start3A_15 : memref<1x79x128xi32, #tpu.memory_space<hbm>> -> memref<79x128xi32, #tpu.memory_space<hbm>>
      tpu.enqueue_dma source(%dma_start3A_16 : memref<79x128xi32, #tpu.memory_space<hbm>>) target(%arg7 : memref<79x128xi32, #tpu.memory_space<vmem>>) target_semaphore(%run_scoped3A : memref<!tpu.dma_semaphore, #tpu.memory_space<semaphore_mem>>)
      %dma_wait3A = arith.constant 0 : i32
      %dma_wait3A_17 = arith.constant 0 : i32
      %dma_wait3A_18 = tpu.memref_slice %arg2[%add3A, %dma_wait3A, %dma_wait3A_17] : memref<32x79x128xi32, #tpu.memory_space<hbm>> -> memref<1x79x128xi32, #tpu.memory_space<hbm>>
      %dma_wait3A_19 = tpu.memref_squeeze %dma_wait3A_18 : memref<1x79x128xi32, #tpu.memory_space<hbm>> -> memref<79x128xi32, #tpu.memory_space<hbm>>
      %dma_wait3A_20 = arith.constant 0 : i32
      %dma_wait3A_21 = arith.constant 0 : i32
      %dma_wait3A_22 = tpu.memref_slice %arg2[%add3A, %dma_wait3A_20, %dma_wait3A_21] : memref<32x79x128xi32, #tpu.memory_space<hbm>> -> memref<1x79x128xi32, #tpu.memory_space<hbm>>
      %dma_wait3A_23 = tpu.memref_squeeze %dma_wait3A_22 : memref<1x79x128xi32, #tpu.memory_space<hbm>> -> memref<79x128xi32, #tpu.memory_space<hbm>>
      tpu.wait_dma2 semaphore(%run_scoped3A : memref<!tpu.dma_semaphore, #tpu.memory_space<semaphore_mem>>) src(%dma_wait3A_23 : memref<79x128xi32, #tpu.memory_space<hbm>>) dst(%arg7 : memref<79x128xi32, #tpu.memory_space<vmem>>)
      tpu.yield
    }) : () -> ()
    %barrier3A = arith.constant 0 : index
    tpu.barrier barrier_id(%barrier3A)
    %scan3A = arith.constant 0 : i32
    %scan3A_4 = arith.constant 0 : i32
    %scan3A_5 = arith.constant 79 : i32
    %scan3A_6 = arith.addi %scan3A_4, %scan3A_5 : i32
    %scan3A_7 = arith.constant 1 : i32
    scf.for %scan3A_10 = %scan3A_4 to %scan3A_6 step %scan3A_7  : i32 {
      "tpu.region"() ({
        %run_scoped3A = tpu.sem_alloc : memref<!tpu.dma_semaphore, #tpu.memory_space<semaphore_mem>>
        %dma_start3A = arith.constant 0 : i32
        %dma_start3A_11 = tpu.memref_slice %arg7[%scan3A_10, %dma_start3A] : memref<79x128xi32, #tpu.memory_space<vmem>> -> memref<1x128xi32, #tpu.memory_space<vmem>>
        %dma_start3A_12 = tpu.memref_squeeze %dma_start3A_11 : memref<1x128xi32, #tpu.memory_space<vmem>> -> memref<128xi32, #tpu.memory_space<vmem>>
        %dma_start3A_13 = arith.constant 0 : i32
        %dma_start3A_14 = arith.constant 0 : i32
        %dma_start3A_15 = tpu.memref_slice %arg6[%dma_start3A_13, %dma_start3A_14] : memref<10008x8xf32, #tpu.memory_space<vmem_shared>> -> memref<10008x8xf32, #tpu.memory_space<vmem_shared>>
        tpu.enqueue_indirect_dma source(%arg8 : memref<128x8xf32, #tpu.memory_space<vmem>>) target(%dma_start3A_15 : memref<10008x8xf32, #tpu.memory_space<vmem_shared>>) offsets(%dma_start3A_12 : memref<128xi32, #tpu.memory_space<vmem>>) semaphore(%run_scoped3A : memref<!tpu.dma_semaphore, #tpu.memory_space<semaphore_mem>>) {add = true}
        %dma_wait3A = arith.constant 0 : i32
        %dma_wait3A_16 = tpu.memref_slice %arg7[%scan3A_10, %dma_wait3A] : memref<79x128xi32, #tpu.memory_space<vmem>> -> memref<1x128xi32, #tpu.memory_space<vmem>>
        %dma_wait3A_17 = tpu.memref_squeeze %dma_wait3A_16 : memref<1x128xi32, #tpu.memory_space<vmem>> -> memref<128xi32, #tpu.memory_space<vmem>>
        %dma_wait3A_18 = arith.constant 0 : i32
        %dma_wait3A_19 = arith.constant 0 : i32
        %dma_wait3A_20 = tpu.memref_slice %arg6[%dma_wait3A_18, %dma_wait3A_19] : memref<10008x8xf32, #tpu.memory_space<vmem_shared>> -> memref<10008x8xf32, #tpu.memory_space<vmem_shared>>
        tpu.wait_indirect_dma semaphore(%run_scoped3A : memref<!tpu.dma_semaphore, #tpu.memory_space<semaphore_mem>>) src(%arg8 : memref<128x8xf32, #tpu.memory_space<vmem>>) dst(%dma_wait3A_20 : memref<10008x8xf32, #tpu.memory_space<vmem_shared>>)
        tpu.yield
      }) : () -> ()
    }
    %scan3A_8 = arith.constant 79 : i32
    %barrier3A_9 = arith.constant 0 : index
    tpu.barrier barrier_id(%barrier3A_9)
    "tpu.region"() ({
      %run_scoped3A = tpu.sem_alloc : memref<!tpu.dma_semaphore, #tpu.memory_space<semaphore_mem>>
      %dma_start3A = arith.constant 0 : i32
      %dma_start3A_10 = tpu.memref_slice %arg6[%min3A_3, %dma_start3A] : memref<10008x8xf32, #tpu.memory_space<vmem_shared>> -> memref<632x8xf32, #tpu.memory_space<vmem_shared>>
      %dma_start3A_11 = arith.constant 0 : i32
      %dma_start3A_12 = tpu.memref_slice %arg6[%min3A_3, %dma_start3A_11] : memref<10008x8xf32, #tpu.memory_space<vmem_shared>> -> memref<632x8xf32, #tpu.memory_space<vmem_shared>>
      tpu.enqueue_dma source(%dma_start3A_12 : memref<632x8xf32, #tpu.memory_space<vmem_shared>>) target(%arg9 : memref<632x8xf32, #tpu.memory_space<vmem>>) target_semaphore(%run_scoped3A : memref<!tpu.dma_semaphore, #tpu.memory_space<semaphore_mem>>)
      %dma_wait3A = arith.constant 0 : i32
      %dma_wait3A_13 = tpu.memref_slice %arg6[%min3A_3, %dma_wait3A] : memref<10008x8xf32, #tpu.memory_space<vmem_shared>> -> memref<632x8xf32, #tpu.memory_space<vmem_shared>>
      %dma_wait3A_14 = arith.constant 0 : i32
      %dma_wait3A_15 = tpu.memref_slice %arg6[%min3A_3, %dma_wait3A_14] : memref<10008x8xf32, #tpu.memory_space<vmem_shared>> -> memref<632x8xf32, #tpu.memory_space<vmem_shared>>
      tpu.wait_dma2 semaphore(%run_scoped3A : memref<!tpu.dma_semaphore, #tpu.memory_space<semaphore_mem>>) src(%dma_wait3A_15 : memref<632x8xf32, #tpu.memory_space<vmem_shared>>) dst(%arg9 : memref<632x8xf32, #tpu.memory_space<vmem>>)
      tpu.yield
    }) : () -> ()
    "tpu.region"() ({
      %run_scoped3A = tpu.sem_alloc : memref<!tpu.dma_semaphore, #tpu.memory_space<semaphore_mem>>
      %dma_start3A = arith.constant 0 : i32
      %dma_start3A_10 = tpu.memref_slice %arg5[%arg0, %min3A_3, %dma_start3A] : memref<2x10000x8xf32, #tpu.memory_space<hbm>> -> memref<1x632x8xf32, #tpu.memory_space<hbm>>
      %dma_start3A_11 = tpu.memref_squeeze %dma_start3A_10 : memref<1x632x8xf32, #tpu.memory_space<hbm>> -> memref<632x8xf32, #tpu.memory_space<hbm>>
      %dma_start3A_12 = arith.constant 0 : i32
      %dma_start3A_13 = tpu.memref_slice %arg5[%arg0, %min3A_3, %dma_start3A_12] : memref<2x10000x8xf32, #tpu.memory_space<hbm>> -> memref<1x632x8xf32, #tpu.memory_space<hbm>>
      %dma_start3A_14 = tpu.memref_squeeze %dma_start3A_13 : memref<1x632x8xf32, #tpu.memory_space<hbm>> -> memref<632x8xf32, #tpu.memory_space<hbm>>
      tpu.enqueue_dma source(%arg9 : memref<632x8xf32, #tpu.memory_space<vmem>>) target(%dma_start3A_14 : memref<632x8xf32, #tpu.memory_space<hbm>>) target_semaphore(%run_scoped3A : memref<!tpu.dma_semaphore, #tpu.memory_space<semaphore_mem>>)
      %dma_wait3A = arith.constant 0 : i32
      %dma_wait3A_15 = tpu.memref_slice %arg5[%arg0, %min3A_3, %dma_wait3A] : memref<2x10000x8xf32, #tpu.memory_space<hbm>> -> memref<1x632x8xf32, #tpu.memory_space<hbm>>
      %dma_wait3A_16 = tpu.memref_squeeze %dma_wait3A_15 : memref<1x632x8xf32, #tpu.memory_space<hbm>> -> memref<632x8xf32, #tpu.memory_space<hbm>>
      %dma_wait3A_17 = arith.constant 0 : i32
      %dma_wait3A_18 = tpu.memref_slice %arg5[%arg0, %min3A_3, %dma_wait3A_17] : memref<2x10000x8xf32, #tpu.memory_space<hbm>> -> memref<1x632x8xf32, #tpu.memory_space<hbm>>
      %dma_wait3A_19 = tpu.memref_squeeze %dma_wait3A_18 : memref<1x632x8xf32, #tpu.memory_space<hbm>> -> memref<632x8xf32, #tpu.memory_space<hbm>>
      tpu.wait_dma2 semaphore(%run_scoped3A : memref<!tpu.dma_semaphore, #tpu.memory_space<semaphore_mem>>) src(%arg9 : memref<632x8xf32, #tpu.memory_space<vmem>>) dst(%dma_wait3A_19 : memref<632x8xf32, #tpu.memory_space<hbm>>)
      tpu.yield
    }) : () -> ()
    return
  }
}

#map = affine_map<(d0, d1) -> (0, 0)>
#map1 = affine_map<(d0, d1) -> (0, 0, 0)>
module attributes {stable_mosaic.version = 14 : i64} {
  func.func @_agg_body(%arg0: i32, %arg1: i32, %arg2: memref<10008x8xf32, #tpu.memory_space<hbm>>, %arg3: memref<32x79x128xi32, #tpu.memory_space<hbm>>, %arg4: memref<32x79x128xi32, #tpu.memory_space<hbm>>, %arg5: memref<10000x8xf32, #tpu.memory_space<hbm>>, %arg6: memref<2x10000x8xf32, #tpu.memory_space<hbm>>, %arg7: memref<10008x8xf32, #tpu.memory_space<vmem_shared>>, %arg8: memref<79x128xi32, #tpu.memory_space<vmem>>, %arg9: memref<79x128xi32, #tpu.memory_space<vmem>>, %arg10: memref<128x8xf32, #tpu.memory_space<vmem>>, %arg11: memref<128x8xf32, #tpu.memory_space<vmem>>, %arg12: memref<632x8xf32, #tpu.memory_space<vmem>>, %arg13: memref<!tpu.dma_semaphore, #tpu.memory_space<semaphore_mem>>, %arg14: memref<!tpu.dma_semaphore, #tpu.memory_space<semaphore_mem>>) attributes {dimension_semantics = [#tpu.dimension_semantics<core_parallel>, #tpu.dimension_semantics<subcore_parallel>], iteration_bounds = array<i64: 2, 16>, scalar_prefetch = 0 : i64, scratch_operands = 8 : i64, tpu.core_type = #tpu.core_type<sc_vector_subcore>, window_params = [{transform_indices = #map}, {transform_indices = #map1}, {transform_indices = #map1}, {transform_indices = #map}, {transform_indices = #map1}]} {
    %mul3A = arith.constant 16 : i32
    %mul3A_0 = arith.muli %arg0, %mul3A : i32
    %add3A = arith.addi %mul3A_0, %arg1 : i32
    %mul3A_1 = arith.constant 632 : i32
    %mul3A_2 = arith.muli %arg1, %mul3A_1 : i32
    %min3A = arith.constant 9368 : i32
    %min3A_3 = arith.minsi %mul3A_2, %min3A : i32
    "tpu.region"() ({
      %run_scoped3A = tpu.sem_alloc : memref<!tpu.dma_semaphore, #tpu.memory_space<semaphore_mem>>
      %dma_start3A_16 = arith.constant 0 : i32
      %dma_start3A_17 = tpu.memref_slice %arg5[%min3A_3, %dma_start3A_16] : memref<10000x8xf32, #tpu.memory_space<hbm>> -> memref<632x8xf32, #tpu.memory_space<hbm>>
      %dma_start3A_18 = arith.constant 0 : i32
      %dma_start3A_19 = tpu.memref_slice %arg5[%min3A_3, %dma_start3A_18] : memref<10000x8xf32, #tpu.memory_space<hbm>> -> memref<632x8xf32, #tpu.memory_space<hbm>>
      tpu.enqueue_dma source(%dma_start3A_19 : memref<632x8xf32, #tpu.memory_space<hbm>>) target(%arg12 : memref<632x8xf32, #tpu.memory_space<vmem>>) target_semaphore(%run_scoped3A : memref<!tpu.dma_semaphore, #tpu.memory_space<semaphore_mem>>)
      %dma_wait3A = arith.constant 0 : i32
      %dma_wait3A_20 = tpu.memref_slice %arg5[%min3A_3, %dma_wait3A] : memref<10000x8xf32, #tpu.memory_space<hbm>> -> memref<632x8xf32, #tpu.memory_space<hbm>>
      %dma_wait3A_21 = arith.constant 0 : i32
      %dma_wait3A_22 = tpu.memref_slice %arg5[%min3A_3, %dma_wait3A_21] : memref<10000x8xf32, #tpu.memory_space<hbm>> -> memref<632x8xf32, #tpu.memory_space<hbm>>
      tpu.wait_dma2 semaphore(%run_scoped3A : memref<!tpu.dma_semaphore, #tpu.memory_space<semaphore_mem>>) src(%dma_wait3A_22 : memref<632x8xf32, #tpu.memory_space<hbm>>) dst(%arg12 : memref<632x8xf32, #tpu.memory_space<vmem>>)
      tpu.yield
    }) : () -> ()
    "tpu.region"() ({
      %run_scoped3A = tpu.sem_alloc : memref<!tpu.dma_semaphore, #tpu.memory_space<semaphore_mem>>
      %dma_start3A_16 = arith.constant 0 : i32
      %dma_start3A_17 = tpu.memref_slice %arg7[%min3A_3, %dma_start3A_16] : memref<10008x8xf32, #tpu.memory_space<vmem_shared>> -> memref<632x8xf32, #tpu.memory_space<vmem_shared>>
      %dma_start3A_18 = arith.constant 0 : i32
      %dma_start3A_19 = tpu.memref_slice %arg7[%min3A_3, %dma_start3A_18] : memref<10008x8xf32, #tpu.memory_space<vmem_shared>> -> memref<632x8xf32, #tpu.memory_space<vmem_shared>>
      tpu.enqueue_dma source(%arg12 : memref<632x8xf32, #tpu.memory_space<vmem>>) target(%dma_start3A_19 : memref<632x8xf32, #tpu.memory_space<vmem_shared>>) target_semaphore(%run_scoped3A : memref<!tpu.dma_semaphore, #tpu.memory_space<semaphore_mem>>)
      %dma_wait3A = arith.constant 0 : i32
      %dma_wait3A_20 = tpu.memref_slice %arg7[%min3A_3, %dma_wait3A] : memref<10008x8xf32, #tpu.memory_space<vmem_shared>> -> memref<632x8xf32, #tpu.memory_space<vmem_shared>>
      %dma_wait3A_21 = arith.constant 0 : i32
      %dma_wait3A_22 = tpu.memref_slice %arg7[%min3A_3, %dma_wait3A_21] : memref<10008x8xf32, #tpu.memory_space<vmem_shared>> -> memref<632x8xf32, #tpu.memory_space<vmem_shared>>
      tpu.wait_dma2 semaphore(%run_scoped3A : memref<!tpu.dma_semaphore, #tpu.memory_space<semaphore_mem>>) src(%arg12 : memref<632x8xf32, #tpu.memory_space<vmem>>) dst(%dma_wait3A_22 : memref<632x8xf32, #tpu.memory_space<vmem_shared>>)
      tpu.yield
    }) : () -> ()
    "tpu.region"() ({
      %run_scoped3A = tpu.sem_alloc : memref<!tpu.dma_semaphore, #tpu.memory_space<semaphore_mem>>
      %dma_start3A_16 = arith.constant 0 : i32
      %dma_start3A_17 = arith.constant 0 : i32
      %dma_start3A_18 = tpu.memref_slice %arg3[%add3A, %dma_start3A_16, %dma_start3A_17] : memref<32x79x128xi32, #tpu.memory_space<hbm>> -> memref<1x79x128xi32, #tpu.memory_space<hbm>>
      %dma_start3A_19 = tpu.memref_squeeze %dma_start3A_18 : memref<1x79x128xi32, #tpu.memory_space<hbm>> -> memref<79x128xi32, #tpu.memory_space<hbm>>
      %dma_start3A_20 = arith.constant 0 : i32
      %dma_start3A_21 = arith.constant 0 : i32
      %dma_start3A_22 = tpu.memref_slice %arg3[%add3A, %dma_start3A_20, %dma_start3A_21] : memref<32x79x128xi32, #tpu.memory_space<hbm>> -> memref<1x79x128xi32, #tpu.memory_space<hbm>>
      %dma_start3A_23 = tpu.memref_squeeze %dma_start3A_22 : memref<1x79x128xi32, #tpu.memory_space<hbm>> -> memref<79x128xi32, #tpu.memory_space<hbm>>
      tpu.enqueue_dma source(%dma_start3A_23 : memref<79x128xi32, #tpu.memory_space<hbm>>) target(%arg8 : memref<79x128xi32, #tpu.memory_space<vmem>>) target_semaphore(%run_scoped3A : memref<!tpu.dma_semaphore, #tpu.memory_space<semaphore_mem>>)
      %dma_wait3A = arith.constant 0 : i32
      %dma_wait3A_24 = arith.constant 0 : i32
      %dma_wait3A_25 = tpu.memref_slice %arg3[%add3A, %dma_wait3A, %dma_wait3A_24] : memref<32x79x128xi32, #tpu.memory_space<hbm>> -> memref<1x79x128xi32, #tpu.memory_space<hbm>>
      %dma_wait3A_26 = tpu.memref_squeeze %dma_wait3A_25 : memref<1x79x128xi32, #tpu.memory_space<hbm>> -> memref<79x128xi32, #tpu.memory_space<hbm>>
      %dma_wait3A_27 = arith.constant 0 : i32
      %dma_wait3A_28 = arith.constant 0 : i32
      %dma_wait3A_29 = tpu.memref_slice %arg3[%add3A, %dma_wait3A_27, %dma_wait3A_28] : memref<32x79x128xi32, #tpu.memory_space<hbm>> -> memref<1x79x128xi32, #tpu.memory_space<hbm>>
      %dma_wait3A_30 = tpu.memref_squeeze %dma_wait3A_29 : memref<1x79x128xi32, #tpu.memory_space<hbm>> -> memref<79x128xi32, #tpu.memory_space<hbm>>
      tpu.wait_dma2 semaphore(%run_scoped3A : memref<!tpu.dma_semaphore, #tpu.memory_space<semaphore_mem>>) src(%dma_wait3A_30 : memref<79x128xi32, #tpu.memory_space<hbm>>) dst(%arg8 : memref<79x128xi32, #tpu.memory_space<vmem>>)
      tpu.yield
    }) : () -> ()
    "tpu.region"() ({
      %run_scoped3A = tpu.sem_alloc : memref<!tpu.dma_semaphore, #tpu.memory_space<semaphore_mem>>
      %dma_start3A_16 = arith.constant 0 : i32
      %dma_start3A_17 = arith.constant 0 : i32
      %dma_start3A_18 = tpu.memref_slice %arg4[%add3A, %dma_start3A_16, %dma_start3A_17] : memref<32x79x128xi32, #tpu.memory_space<hbm>> -> memref<1x79x128xi32, #tpu.memory_space<hbm>>
      %dma_start3A_19 = tpu.memref_squeeze %dma_start3A_18 : memref<1x79x128xi32, #tpu.memory_space<hbm>> -> memref<79x128xi32, #tpu.memory_space<hbm>>
      %dma_start3A_20 = arith.constant 0 : i32
      %dma_start3A_21 = arith.constant 0 : i32
      %dma_start3A_22 = tpu.memref_slice %arg4[%add3A, %dma_start3A_20, %dma_start3A_21] : memref<32x79x128xi32, #tpu.memory_space<hbm>> -> memref<1x79x128xi32, #tpu.memory_space<hbm>>
      %dma_start3A_23 = tpu.memref_squeeze %dma_start3A_22 : memref<1x79x128xi32, #tpu.memory_space<hbm>> -> memref<79x128xi32, #tpu.memory_space<hbm>>
      tpu.enqueue_dma source(%dma_start3A_23 : memref<79x128xi32, #tpu.memory_space<hbm>>) target(%arg9 : memref<79x128xi32, #tpu.memory_space<vmem>>) target_semaphore(%run_scoped3A : memref<!tpu.dma_semaphore, #tpu.memory_space<semaphore_mem>>)
      %dma_wait3A = arith.constant 0 : i32
      %dma_wait3A_24 = arith.constant 0 : i32
      %dma_wait3A_25 = tpu.memref_slice %arg4[%add3A, %dma_wait3A, %dma_wait3A_24] : memref<32x79x128xi32, #tpu.memory_space<hbm>> -> memref<1x79x128xi32, #tpu.memory_space<hbm>>
      %dma_wait3A_26 = tpu.memref_squeeze %dma_wait3A_25 : memref<1x79x128xi32, #tpu.memory_space<hbm>> -> memref<79x128xi32, #tpu.memory_space<hbm>>
      %dma_wait3A_27 = arith.constant 0 : i32
      %dma_wait3A_28 = arith.constant 0 : i32
      %dma_wait3A_29 = tpu.memref_slice %arg4[%add3A, %dma_wait3A_27, %dma_wait3A_28] : memref<32x79x128xi32, #tpu.memory_space<hbm>> -> memref<1x79x128xi32, #tpu.memory_space<hbm>>
      %dma_wait3A_30 = tpu.memref_squeeze %dma_wait3A_29 : memref<1x79x128xi32, #tpu.memory_space<hbm>> -> memref<79x128xi32, #tpu.memory_space<hbm>>
      tpu.wait_dma2 semaphore(%run_scoped3A : memref<!tpu.dma_semaphore, #tpu.memory_space<semaphore_mem>>) src(%dma_wait3A_30 : memref<79x128xi32, #tpu.memory_space<hbm>>) dst(%arg9 : memref<79x128xi32, #tpu.memory_space<vmem>>)
      tpu.yield
    }) : () -> ()
    %barrier3A = arith.constant 0 : index
    tpu.barrier barrier_id(%barrier3A)
    %dma_start3A = arith.constant 0 : i32
    %dma_start3A_4 = arith.constant 0 : i32
    %dma_start3A_5 = tpu.memref_slice %arg8[%dma_start3A, %dma_start3A_4] : memref<79x128xi32, #tpu.memory_space<vmem>> -> memref<1x128xi32, #tpu.memory_space<vmem>>
    %dma_start3A_6 = tpu.memref_squeeze %dma_start3A_5 : memref<1x128xi32, #tpu.memory_space<vmem>> -> memref<128xi32, #tpu.memory_space<vmem>>
    %dma_start3A_7 = arith.constant 0 : i32
    %dma_start3A_8 = arith.constant 0 : i32
    %dma_start3A_9 = tpu.memref_slice %arg2[%dma_start3A_7, %dma_start3A_8] : memref<10008x8xf32, #tpu.memory_space<hbm>> -> memref<10008x8xf32, #tpu.memory_space<hbm>>
    tpu.enqueue_indirect_dma source(%dma_start3A_9 : memref<10008x8xf32, #tpu.memory_space<hbm>>) target(%arg10 : memref<128x8xf32, #tpu.memory_space<vmem>>) offsets(%dma_start3A_6 : memref<128xi32, #tpu.memory_space<vmem>>) semaphore(%arg13 : memref<!tpu.dma_semaphore, #tpu.memory_space<semaphore_mem>>)
    %scan3A = arith.constant 0 : i32
    %scan3A_10 = arith.constant 0 : i32
    %scan3A_11 = arith.constant 79 : i32
    %scan3A_12 = arith.addi %scan3A_10, %scan3A_11 : i32
    %scan3A_13 = arith.constant 1 : i32
    scf.for %scan3A_16 = %scan3A_10 to %scan3A_12 step %scan3A_13  : i32 {
      %jit3A = arith.constant 2 : i32
      %eq3A = arith.constant 0 : i32
      %eq3A_17 = arith.cmpi eq, %jit3A, %eq3A : i32
      %jit3A_18 = arith.constant 1 : i32
      %select_n3A = arith.select %eq3A_17, %jit3A_18, %jit3A : i32
      %rem3A = arith.remsi %scan3A_16, %select_n3A : i32
      %ne3A = arith.constant 0 : i32
      %ne3A_19 = arith.cmpi ne, %rem3A, %ne3A : i32
      %lt3A = arith.constant 0 : i32
      %lt3A_20 = arith.cmpi slt, %rem3A, %lt3A : i32
      %lt3A_21 = arith.constant 0 : i32
      %lt3A_22 = arith.cmpi slt, %select_n3A, %lt3A_21 : i32
      %ne3A_23 = arith.xori %lt3A_20, %lt3A_22 : i1
      %and3A = arith.andi %ne3A_23, %ne3A_19 : i1
      %add3A_24 = arith.addi %rem3A, %select_n3A : i32
      %select_n3A_25 = arith.select %and3A, %add3A_24, %rem3A : i32
      %eq3A_26 = arith.constant 0 : i32
      %eq3A_27 = arith.cmpi eq, %select_n3A_25, %eq3A_26 : i32
      %convert_element_type3A = arith.extui %eq3A_27 : i1 to i32
      %cond3A = arith.constant 0 : i32
      %cond3A_28 = arith.cmpi ne, %convert_element_type3A, %cond3A : i32
      scf.if %cond3A_28 {
        %dma_wait3A = arith.constant 0 : i32
        %dma_wait3A_50 = tpu.memref_slice %arg8[%scan3A_16, %dma_wait3A] : memref<79x128xi32, #tpu.memory_space<vmem>> -> memref<1x128xi32, #tpu.memory_space<vmem>>
        %dma_wait3A_51 = tpu.memref_squeeze %dma_wait3A_50 : memref<1x128xi32, #tpu.memory_space<vmem>> -> memref<128xi32, #tpu.memory_space<vmem>>
        %dma_wait3A_52 = arith.constant 0 : i32
        %dma_wait3A_53 = arith.constant 0 : i32
        %dma_wait3A_54 = tpu.memref_slice %arg2[%dma_wait3A_52, %dma_wait3A_53] : memref<10008x8xf32, #tpu.memory_space<hbm>> -> memref<10008x8xf32, #tpu.memory_space<hbm>>
        tpu.wait_indirect_dma semaphore(%arg13 : memref<!tpu.dma_semaphore, #tpu.memory_space<semaphore_mem>>) src(%dma_wait3A_54 : memref<10008x8xf32, #tpu.memory_space<hbm>>) dst(%arg10 : memref<128x8xf32, #tpu.memory_space<vmem>>)
        %add3A_55 = arith.constant 1 : i32
        %add3A_56 = arith.addi %scan3A_16, %add3A_55 : i32
        %lt3A_57 = arith.constant 79 : i32
        %lt3A_58 = arith.cmpi slt, %add3A_56, %lt3A_57 : i32
        %convert_element_type3A_59 = arith.extui %lt3A_58 : i1 to i32
        %cond3A_60 = arith.constant 0 : i32
        %cond3A_61 = arith.cmpi ne, %convert_element_type3A_59, %cond3A_60 : i32
        scf.if %cond3A_61 {
          %add3A_62 = arith.constant 1 : i32
          %add3A_63 = arith.addi %scan3A_16, %add3A_62 : i32
          %dma_start3A_64 = arith.constant 0 : i32
          %dma_start3A_65 = tpu.memref_slice %arg8[%add3A_63, %dma_start3A_64] : memref<79x128xi32, #tpu.memory_space<vmem>> -> memref<1x128xi32, #tpu.memory_space<vmem>>
          %dma_start3A_66 = tpu.memref_squeeze %dma_start3A_65 : memref<1x128xi32, #tpu.memory_space<vmem>> -> memref<128xi32, #tpu.memory_space<vmem>>
          %dma_start3A_67 = arith.constant 0 : i32
          %dma_start3A_68 = arith.constant 0 : i32
          %dma_start3A_69 = tpu.memref_slice %arg2[%dma_start3A_67, %dma_start3A_68] : memref<10008x8xf32, #tpu.memory_space<hbm>> -> memref<10008x8xf32, #tpu.memory_space<hbm>>
          tpu.enqueue_indirect_dma source(%dma_start3A_69 : memref<10008x8xf32, #tpu.memory_space<hbm>>) target(%arg11 : memref<128x8xf32, #tpu.memory_space<vmem>>) offsets(%dma_start3A_66 : memref<128xi32, #tpu.memory_space<vmem>>) semaphore(%arg14 : memref<!tpu.dma_semaphore, #tpu.memory_space<semaphore_mem>>)
        } else {
        }
        "tpu.region"() ({
          %run_scoped3A = tpu.sem_alloc : memref<!tpu.dma_semaphore, #tpu.memory_space<semaphore_mem>>
          %dma_start3A_62 = arith.constant 0 : i32
          %dma_start3A_63 = tpu.memref_slice %arg9[%scan3A_16, %dma_start3A_62] : memref<79x128xi32, #tpu.memory_space<vmem>> -> memref<1x128xi32, #tpu.memory_space<vmem>>
          %dma_start3A_64 = tpu.memref_squeeze %dma_start3A_63 : memref<1x128xi32, #tpu.memory_space<vmem>> -> memref<128xi32, #tpu.memory_space<vmem>>
          %dma_start3A_65 = arith.constant 0 : i32
          %dma_start3A_66 = arith.constant 0 : i32
          %dma_start3A_67 = tpu.memref_slice %arg7[%dma_start3A_65, %dma_start3A_66] : memref<10008x8xf32, #tpu.memory_space<vmem_shared>> -> memref<10008x8xf32, #tpu.memory_space<vmem_shared>>
          tpu.enqueue_indirect_dma source(%arg10 : memref<128x8xf32, #tpu.memory_space<vmem>>) target(%dma_start3A_67 : memref<10008x8xf32, #tpu.memory_space<vmem_shared>>) offsets(%dma_start3A_64 : memref<128xi32, #tpu.memory_space<vmem>>) semaphore(%run_scoped3A : memref<!tpu.dma_semaphore, #tpu.memory_space<semaphore_mem>>) {add = true}
          %dma_wait3A_68 = arith.constant 0 : i32
          %dma_wait3A_69 = tpu.memref_slice %arg9[%scan3A_16, %dma_wait3A_68] : memref<79x128xi32, #tpu.memory_space<vmem>> -> memref<1x128xi32, #tpu.memory_space<vmem>>
          %dma_wait3A_70 = tpu.memref_squeeze %dma_wait3A_69 : memref<1x128xi32, #tpu.memory_space<vmem>> -> memref<128xi32, #tpu.memory_space<vmem>>
          %dma_wait3A_71 = arith.constant 0 : i32
          %dma_wait3A_72 = arith.constant 0 : i32
          %dma_wait3A_73 = tpu.memref_slice %arg7[%dma_wait3A_71, %dma_wait3A_72] : memref<10008x8xf32, #tpu.memory_space<vmem_shared>> -> memref<10008x8xf32, #tpu.memory_space<vmem_shared>>
          tpu.wait_indirect_dma semaphore(%run_scoped3A : memref<!tpu.dma_semaphore, #tpu.memory_space<semaphore_mem>>) src(%arg10 : memref<128x8xf32, #tpu.memory_space<vmem>>) dst(%dma_wait3A_73 : memref<10008x8xf32, #tpu.memory_space<vmem_shared>>)
          tpu.yield
        }) : () -> ()
      } else {
      }
      %jit3A_29 = arith.constant 2 : i32
      %eq3A_30 = arith.constant 0 : i32
      %eq3A_31 = arith.cmpi eq, %jit3A_29, %eq3A_30 : i32
      %jit3A_32 = arith.constant 1 : i32
      %select_n3A_33 = arith.select %eq3A_31, %jit3A_32, %jit3A_29 : i32
      %rem3A_34 = arith.remsi %scan3A_16, %select_n3A_33 : i32
      %ne3A_35 = arith.constant 0 : i32
      %ne3A_36 = arith.cmpi ne, %rem3A_34, %ne3A_35 : i32
      %lt3A_37 = arith.constant 0 : i32
      %lt3A_38 = arith.cmpi slt, %rem3A_34, %lt3A_37 : i32
      %lt3A_39 = arith.constant 0 : i32
      %lt3A_40 = arith.cmpi slt, %select_n3A_33, %lt3A_39 : i32
      %ne3A_41 = arith.xori %lt3A_38, %lt3A_40 : i1
      %and3A_42 = arith.andi %ne3A_41, %ne3A_36 : i1
      %add3A_43 = arith.addi %rem3A_34, %select_n3A_33 : i32
      %select_n3A_44 = arith.select %and3A_42, %add3A_43, %rem3A_34 : i32
      %eq3A_45 = arith.constant 1 : i32
      %eq3A_46 = arith.cmpi eq, %select_n3A_44, %eq3A_45 : i32
      %convert_element_type3A_47 = arith.extui %eq3A_46 : i1 to i32
      %cond3A_48 = arith.constant 0 : i32
      %cond3A_49 = arith.cmpi ne, %convert_element_type3A_47, %cond3A_48 : i32
      scf.if %cond3A_49 {
        %dma_wait3A = arith.constant 0 : i32
        %dma_wait3A_50 = tpu.memref_slice %arg8[%scan3A_16, %dma_wait3A] : memref<79x128xi32, #tpu.memory_space<vmem>> -> memref<1x128xi32, #tpu.memory_space<vmem>>
        %dma_wait3A_51 = tpu.memref_squeeze %dma_wait3A_50 : memref<1x128xi32, #tpu.memory_space<vmem>> -> memref<128xi32, #tpu.memory_space<vmem>>
        %dma_wait3A_52 = arith.constant 0 : i32
        %dma_wait3A_53 = arith.constant 0 : i32
        %dma_wait3A_54 = tpu.memref_slice %arg2[%dma_wait3A_52, %dma_wait3A_53] : memref<10008x8xf32, #tpu.memory_space<hbm>> -> memref<10008x8xf32, #tpu.memory_space<hbm>>
        tpu.wait_indirect_dma semaphore(%arg14 : memref<!tpu.dma_semaphore, #tpu.memory_space<semaphore_mem>>) src(%dma_wait3A_54 : memref<10008x8xf32, #tpu.memory_space<hbm>>) dst(%arg11 : memref<128x8xf32, #tpu.memory_space<vmem>>)
        %add3A_55 = arith.constant 1 : i32
        %add3A_56 = arith.addi %scan3A_16, %add3A_55 : i32
        %lt3A_57 = arith.constant 79 : i32
        %lt3A_58 = arith.cmpi slt, %add3A_56, %lt3A_57 : i32
        %convert_element_type3A_59 = arith.extui %lt3A_58 : i1 to i32
        %cond3A_60 = arith.constant 0 : i32
        %cond3A_61 = arith.cmpi ne, %convert_element_type3A_59, %cond3A_60 : i32
        scf.if %cond3A_61 {
          %add3A_62 = arith.constant 1 : i32
          %add3A_63 = arith.addi %scan3A_16, %add3A_62 : i32
          %dma_start3A_64 = arith.constant 0 : i32
          %dma_start3A_65 = tpu.memref_slice %arg8[%add3A_63, %dma_start3A_64] : memref<79x128xi32, #tpu.memory_space<vmem>> -> memref<1x128xi32, #tpu.memory_space<vmem>>
          %dma_start3A_66 = tpu.memref_squeeze %dma_start3A_65 : memref<1x128xi32, #tpu.memory_space<vmem>> -> memref<128xi32, #tpu.memory_space<vmem>>
          %dma_start3A_67 = arith.constant 0 : i32
          %dma_start3A_68 = arith.constant 0 : i32
          %dma_start3A_69 = tpu.memref_slice %arg2[%dma_start3A_67, %dma_start3A_68] : memref<10008x8xf32, #tpu.memory_space<hbm>> -> memref<10008x8xf32, #tpu.memory_space<hbm>>
          tpu.enqueue_indirect_dma source(%dma_start3A_69 : memref<10008x8xf32, #tpu.memory_space<hbm>>) target(%arg10 : memref<128x8xf32, #tpu.memory_space<vmem>>) offsets(%dma_start3A_66 : memref<128xi32, #tpu.memory_space<vmem>>) semaphore(%arg13 : memref<!tpu.dma_semaphore, #tpu.memory_space<semaphore_mem>>)
        } else {
        }
        "tpu.region"() ({
          %run_scoped3A = tpu.sem_alloc : memref<!tpu.dma_semaphore, #tpu.memory_space<semaphore_mem>>
          %dma_start3A_62 = arith.constant 0 : i32
          %dma_start3A_63 = tpu.memref_slice %arg9[%scan3A_16, %dma_start3A_62] : memref<79x128xi32, #tpu.memory_space<vmem>> -> memref<1x128xi32, #tpu.memory_space<vmem>>
          %dma_start3A_64 = tpu.memref_squeeze %dma_start3A_63 : memref<1x128xi32, #tpu.memory_space<vmem>> -> memref<128xi32, #tpu.memory_space<vmem>>
          %dma_start3A_65 = arith.constant 0 : i32
          %dma_start3A_66 = arith.constant 0 : i32
          %dma_start3A_67 = tpu.memref_slice %arg7[%dma_start3A_65, %dma_start3A_66] : memref<10008x8xf32, #tpu.memory_space<vmem_shared>> -> memref<10008x8xf32, #tpu.memory_space<vmem_shared>>
          tpu.enqueue_indirect_dma source(%arg11 : memref<128x8xf32, #tpu.memory_space<vmem>>) target(%dma_start3A_67 : memref<10008x8xf32, #tpu.memory_space<vmem_shared>>) offsets(%dma_start3A_64 : memref<128xi32, #tpu.memory_space<vmem>>) semaphore(%run_scoped3A : memref<!tpu.dma_semaphore, #tpu.memory_space<semaphore_mem>>) {add = true}
          %dma_wait3A_68 = arith.constant 0 : i32
          %dma_wait3A_69 = tpu.memref_slice %arg9[%scan3A_16, %dma_wait3A_68] : memref<79x128xi32, #tpu.memory_space<vmem>> -> memref<1x128xi32, #tpu.memory_space<vmem>>
          %dma_wait3A_70 = tpu.memref_squeeze %dma_wait3A_69 : memref<1x128xi32, #tpu.memory_space<vmem>> -> memref<128xi32, #tpu.memory_space<vmem>>
          %dma_wait3A_71 = arith.constant 0 : i32
          %dma_wait3A_72 = arith.constant 0 : i32
          %dma_wait3A_73 = tpu.memref_slice %arg7[%dma_wait3A_71, %dma_wait3A_72] : memref<10008x8xf32, #tpu.memory_space<vmem_shared>> -> memref<10008x8xf32, #tpu.memory_space<vmem_shared>>
          tpu.wait_indirect_dma semaphore(%run_scoped3A : memref<!tpu.dma_semaphore, #tpu.memory_space<semaphore_mem>>) src(%arg11 : memref<128x8xf32, #tpu.memory_space<vmem>>) dst(%dma_wait3A_73 : memref<10008x8xf32, #tpu.memory_space<vmem_shared>>)
          tpu.yield
        }) : () -> ()
      } else {
      }
    }
    %scan3A_14 = arith.constant 79 : i32
    %barrier3A_15 = arith.constant 0 : index
    tpu.barrier barrier_id(%barrier3A_15)
    "tpu.region"() ({
      %run_scoped3A = tpu.sem_alloc : memref<!tpu.dma_semaphore, #tpu.memory_space<semaphore_mem>>
      %dma_start3A_16 = arith.constant 0 : i32
      %dma_start3A_17 = tpu.memref_slice %arg7[%min3A_3, %dma_start3A_16] : memref<10008x8xf32, #tpu.memory_space<vmem_shared>> -> memref<632x8xf32, #tpu.memory_space<vmem_shared>>
      %dma_start3A_18 = arith.constant 0 : i32
      %dma_start3A_19 = tpu.memref_slice %arg7[%min3A_3, %dma_start3A_18] : memref<10008x8xf32, #tpu.memory_space<vmem_shared>> -> memref<632x8xf32, #tpu.memory_space<vmem_shared>>
      tpu.enqueue_dma source(%dma_start3A_19 : memref<632x8xf32, #tpu.memory_space<vmem_shared>>) target(%arg12 : memref<632x8xf32, #tpu.memory_space<vmem>>) target_semaphore(%run_scoped3A : memref<!tpu.dma_semaphore, #tpu.memory_space<semaphore_mem>>)
      %dma_wait3A = arith.constant 0 : i32
      %dma_wait3A_20 = tpu.memref_slice %arg7[%min3A_3, %dma_wait3A] : memref<10008x8xf32, #tpu.memory_space<vmem_shared>> -> memref<632x8xf32, #tpu.memory_space<vmem_shared>>
      %dma_wait3A_21 = arith.constant 0 : i32
      %dma_wait3A_22 = tpu.memref_slice %arg7[%min3A_3, %dma_wait3A_21] : memref<10008x8xf32, #tpu.memory_space<vmem_shared>> -> memref<632x8xf32, #tpu.memory_space<vmem_shared>>
      tpu.wait_dma2 semaphore(%run_scoped3A : memref<!tpu.dma_semaphore, #tpu.memory_space<semaphore_mem>>) src(%dma_wait3A_22 : memref<632x8xf32, #tpu.memory_space<vmem_shared>>) dst(%arg12 : memref<632x8xf32, #tpu.memory_space<vmem>>)
      tpu.yield
    }) : () -> ()
    "tpu.region"() ({
      %run_scoped3A = tpu.sem_alloc : memref<!tpu.dma_semaphore, #tpu.memory_space<semaphore_mem>>
      %dma_start3A_16 = arith.constant 0 : i32
      %dma_start3A_17 = tpu.memref_slice %arg6[%arg0, %min3A_3, %dma_start3A_16] : memref<2x10000x8xf32, #tpu.memory_space<hbm>> -> memref<1x632x8xf32, #tpu.memory_space<hbm>>
      %dma_start3A_18 = tpu.memref_squeeze %dma_start3A_17 : memref<1x632x8xf32, #tpu.memory_space<hbm>> -> memref<632x8xf32, #tpu.memory_space<hbm>>
      %dma_start3A_19 = arith.constant 0 : i32
      %dma_start3A_20 = tpu.memref_slice %arg6[%arg0, %min3A_3, %dma_start3A_19] : memref<2x10000x8xf32, #tpu.memory_space<hbm>> -> memref<1x632x8xf32, #tpu.memory_space<hbm>>
      %dma_start3A_21 = tpu.memref_squeeze %dma_start3A_20 : memref<1x632x8xf32, #tpu.memory_space<hbm>> -> memref<632x8xf32, #tpu.memory_space<hbm>>
      tpu.enqueue_dma source(%arg12 : memref<632x8xf32, #tpu.memory_space<vmem>>) target(%dma_start3A_21 : memref<632x8xf32, #tpu.memory_space<hbm>>) target_semaphore(%run_scoped3A : memref<!tpu.dma_semaphore, #tpu.memory_space<semaphore_mem>>)
      %dma_wait3A = arith.constant 0 : i32
      %dma_wait3A_22 = tpu.memref_slice %arg6[%arg0, %min3A_3, %dma_wait3A] : memref<2x10000x8xf32, #tpu.memory_space<hbm>> -> memref<1x632x8xf32, #tpu.memory_space<hbm>>
      %dma_wait3A_23 = tpu.memref_squeeze %dma_wait3A_22 : memref<1x632x8xf32, #tpu.memory_space<hbm>> -> memref<632x8xf32, #tpu.memory_space<hbm>>
      %dma_wait3A_24 = arith.constant 0 : i32
      %dma_wait3A_25 = tpu.memref_slice %arg6[%arg0, %min3A_3, %dma_wait3A_24] : memref<2x10000x8xf32, #tpu.memory_space<hbm>> -> memref<1x632x8xf32, #tpu.memory_space<hbm>>
      %dma_wait3A_26 = tpu.memref_squeeze %dma_wait3A_25 : memref<1x632x8xf32, #tpu.memory_space<hbm>> -> memref<632x8xf32, #tpu.memory_space<hbm>>
      tpu.wait_dma2 semaphore(%run_scoped3A : memref<!tpu.dma_semaphore, #tpu.memory_space<semaphore_mem>>) src(%arg12 : memref<632x8xf32, #tpu.memory_space<vmem>>) dst(%dma_wait3A_26 : memref<632x8xf32, #tpu.memory_space<hbm>>)
      tpu.yield
    }) : () -> ()
    return
  }
}

#map = affine_map<(d0, d1) -> (0, 0)>
#map1 = affine_map<(d0, d1) -> (0, 0, 0)>
module attributes {stable_mosaic.version = 14 : i64} {
  func.func @_agg_body(%arg0: i32, %arg1: i32, %arg2: memref<10008x8xf32, #tpu.memory_space<hbm>>, %arg3: memref<32x79x128xi32, #tpu.memory_space<hbm>>, %arg4: memref<32x79x128xi32, #tpu.memory_space<hbm>>, %arg5: memref<10000x8xf32, #tpu.memory_space<hbm>>, %arg6: memref<2x10000x8xf32, #tpu.memory_space<hbm>>, %arg7: memref<10008x8xf32, #tpu.memory_space<vmem_shared>>, %arg8: memref<79x128xi32, #tpu.memory_space<vmem>>, %arg9: memref<79x128xi32, #tpu.memory_space<vmem>>, %arg10: memref<128x8xf32, #tpu.memory_space<vmem>>, %arg11: memref<128x8xf32, #tpu.memory_space<vmem>>, %arg12: memref<632x8xf32, #tpu.memory_space<vmem>>, %arg13: memref<!tpu.dma_semaphore, #tpu.memory_space<semaphore_mem>>, %arg14: memref<!tpu.dma_semaphore, #tpu.memory_space<semaphore_mem>>) attributes {dimension_semantics = [#tpu.dimension_semantics<core_parallel>, #tpu.dimension_semantics<subcore_parallel>], iteration_bounds = array<i64: 2, 16>, scalar_prefetch = 0 : i64, scratch_operands = 8 : i64, tpu.core_type = #tpu.core_type<sc_vector_subcore>, window_params = [{transform_indices = #map}, {transform_indices = #map1}, {transform_indices = #map1}, {transform_indices = #map}, {transform_indices = #map1}]} {
    %mul3A = arith.constant 16 : i32
    %mul3A_0 = arith.muli %arg0, %mul3A : i32
    %add3A = arith.addi %mul3A_0, %arg1 : i32
    %mul3A_1 = arith.constant 632 : i32
    %mul3A_2 = arith.muli %arg1, %mul3A_1 : i32
    %min3A = arith.constant 9368 : i32
    %min3A_3 = arith.minsi %mul3A_2, %min3A : i32
    "tpu.region"() ({
      %run_scoped3A = tpu.sem_alloc : memref<!tpu.dma_semaphore, #tpu.memory_space<semaphore_mem>>
      %dma_start3A_16 = arith.constant 0 : i32
      %dma_start3A_17 = tpu.memref_slice %arg5[%min3A_3, %dma_start3A_16] : memref<10000x8xf32, #tpu.memory_space<hbm>> -> memref<632x8xf32, #tpu.memory_space<hbm>>
      %dma_start3A_18 = arith.constant 0 : i32
      %dma_start3A_19 = tpu.memref_slice %arg5[%min3A_3, %dma_start3A_18] : memref<10000x8xf32, #tpu.memory_space<hbm>> -> memref<632x8xf32, #tpu.memory_space<hbm>>
      tpu.enqueue_dma source(%dma_start3A_19 : memref<632x8xf32, #tpu.memory_space<hbm>>) target(%arg12 : memref<632x8xf32, #tpu.memory_space<vmem>>) target_semaphore(%run_scoped3A : memref<!tpu.dma_semaphore, #tpu.memory_space<semaphore_mem>>)
      %dma_wait3A = arith.constant 0 : i32
      %dma_wait3A_20 = tpu.memref_slice %arg5[%min3A_3, %dma_wait3A] : memref<10000x8xf32, #tpu.memory_space<hbm>> -> memref<632x8xf32, #tpu.memory_space<hbm>>
      %dma_wait3A_21 = arith.constant 0 : i32
      %dma_wait3A_22 = tpu.memref_slice %arg5[%min3A_3, %dma_wait3A_21] : memref<10000x8xf32, #tpu.memory_space<hbm>> -> memref<632x8xf32, #tpu.memory_space<hbm>>
      tpu.wait_dma2 semaphore(%run_scoped3A : memref<!tpu.dma_semaphore, #tpu.memory_space<semaphore_mem>>) src(%dma_wait3A_22 : memref<632x8xf32, #tpu.memory_space<hbm>>) dst(%arg12 : memref<632x8xf32, #tpu.memory_space<vmem>>)
      tpu.yield
    }) : () -> ()
    "tpu.region"() ({
      %run_scoped3A = tpu.sem_alloc : memref<!tpu.dma_semaphore, #tpu.memory_space<semaphore_mem>>
      %dma_start3A_16 = arith.constant 0 : i32
      %dma_start3A_17 = tpu.memref_slice %arg7[%min3A_3, %dma_start3A_16] : memref<10008x8xf32, #tpu.memory_space<vmem_shared>> -> memref<632x8xf32, #tpu.memory_space<vmem_shared>>
      %dma_start3A_18 = arith.constant 0 : i32
      %dma_start3A_19 = tpu.memref_slice %arg7[%min3A_3, %dma_start3A_18] : memref<10008x8xf32, #tpu.memory_space<vmem_shared>> -> memref<632x8xf32, #tpu.memory_space<vmem_shared>>
      tpu.enqueue_dma source(%arg12 : memref<632x8xf32, #tpu.memory_space<vmem>>) target(%dma_start3A_19 : memref<632x8xf32, #tpu.memory_space<vmem_shared>>) target_semaphore(%run_scoped3A : memref<!tpu.dma_semaphore, #tpu.memory_space<semaphore_mem>>)
      %dma_wait3A = arith.constant 0 : i32
      %dma_wait3A_20 = tpu.memref_slice %arg7[%min3A_3, %dma_wait3A] : memref<10008x8xf32, #tpu.memory_space<vmem_shared>> -> memref<632x8xf32, #tpu.memory_space<vmem_shared>>
      %dma_wait3A_21 = arith.constant 0 : i32
      %dma_wait3A_22 = tpu.memref_slice %arg7[%min3A_3, %dma_wait3A_21] : memref<10008x8xf32, #tpu.memory_space<vmem_shared>> -> memref<632x8xf32, #tpu.memory_space<vmem_shared>>
      tpu.wait_dma2 semaphore(%run_scoped3A : memref<!tpu.dma_semaphore, #tpu.memory_space<semaphore_mem>>) src(%arg12 : memref<632x8xf32, #tpu.memory_space<vmem>>) dst(%dma_wait3A_22 : memref<632x8xf32, #tpu.memory_space<vmem_shared>>)
      tpu.yield
    }) : () -> ()
    "tpu.region"() ({
      %run_scoped3A = tpu.sem_alloc : memref<!tpu.dma_semaphore, #tpu.memory_space<semaphore_mem>>
      %dma_start3A_16 = arith.constant 0 : i32
      %dma_start3A_17 = arith.constant 0 : i32
      %dma_start3A_18 = tpu.memref_slice %arg3[%add3A, %dma_start3A_16, %dma_start3A_17] : memref<32x79x128xi32, #tpu.memory_space<hbm>> -> memref<1x79x128xi32, #tpu.memory_space<hbm>>
      %dma_start3A_19 = tpu.memref_squeeze %dma_start3A_18 : memref<1x79x128xi32, #tpu.memory_space<hbm>> -> memref<79x128xi32, #tpu.memory_space<hbm>>
      %dma_start3A_20 = arith.constant 0 : i32
      %dma_start3A_21 = arith.constant 0 : i32
      %dma_start3A_22 = tpu.memref_slice %arg3[%add3A, %dma_start3A_20, %dma_start3A_21] : memref<32x79x128xi32, #tpu.memory_space<hbm>> -> memref<1x79x128xi32, #tpu.memory_space<hbm>>
      %dma_start3A_23 = tpu.memref_squeeze %dma_start3A_22 : memref<1x79x128xi32, #tpu.memory_space<hbm>> -> memref<79x128xi32, #tpu.memory_space<hbm>>
      tpu.enqueue_dma source(%dma_start3A_23 : memref<79x128xi32, #tpu.memory_space<hbm>>) target(%arg8 : memref<79x128xi32, #tpu.memory_space<vmem>>) target_semaphore(%run_scoped3A : memref<!tpu.dma_semaphore, #tpu.memory_space<semaphore_mem>>)
      %dma_wait3A = arith.constant 0 : i32
      %dma_wait3A_24 = arith.constant 0 : i32
      %dma_wait3A_25 = tpu.memref_slice %arg3[%add3A, %dma_wait3A, %dma_wait3A_24] : memref<32x79x128xi32, #tpu.memory_space<hbm>> -> memref<1x79x128xi32, #tpu.memory_space<hbm>>
      %dma_wait3A_26 = tpu.memref_squeeze %dma_wait3A_25 : memref<1x79x128xi32, #tpu.memory_space<hbm>> -> memref<79x128xi32, #tpu.memory_space<hbm>>
      %dma_wait3A_27 = arith.constant 0 : i32
      %dma_wait3A_28 = arith.constant 0 : i32
      %dma_wait3A_29 = tpu.memref_slice %arg3[%add3A, %dma_wait3A_27, %dma_wait3A_28] : memref<32x79x128xi32, #tpu.memory_space<hbm>> -> memref<1x79x128xi32, #tpu.memory_space<hbm>>
      %dma_wait3A_30 = tpu.memref_squeeze %dma_wait3A_29 : memref<1x79x128xi32, #tpu.memory_space<hbm>> -> memref<79x128xi32, #tpu.memory_space<hbm>>
      tpu.wait_dma2 semaphore(%run_scoped3A : memref<!tpu.dma_semaphore, #tpu.memory_space<semaphore_mem>>) src(%dma_wait3A_30 : memref<79x128xi32, #tpu.memory_space<hbm>>) dst(%arg8 : memref<79x128xi32, #tpu.memory_space<vmem>>)
      tpu.yield
    }) : () -> ()
    "tpu.region"() ({
      %run_scoped3A = tpu.sem_alloc : memref<!tpu.dma_semaphore, #tpu.memory_space<semaphore_mem>>
      %dma_start3A_16 = arith.constant 0 : i32
      %dma_start3A_17 = arith.constant 0 : i32
      %dma_start3A_18 = tpu.memref_slice %arg4[%add3A, %dma_start3A_16, %dma_start3A_17] : memref<32x79x128xi32, #tpu.memory_space<hbm>> -> memref<1x79x128xi32, #tpu.memory_space<hbm>>
      %dma_start3A_19 = tpu.memref_squeeze %dma_start3A_18 : memref<1x79x128xi32, #tpu.memory_space<hbm>> -> memref<79x128xi32, #tpu.memory_space<hbm>>
      %dma_start3A_20 = arith.constant 0 : i32
      %dma_start3A_21 = arith.constant 0 : i32
      %dma_start3A_22 = tpu.memref_slice %arg4[%add3A, %dma_start3A_20, %dma_start3A_21] : memref<32x79x128xi32, #tpu.memory_space<hbm>> -> memref<1x79x128xi32, #tpu.memory_space<hbm>>
      %dma_start3A_23 = tpu.memref_squeeze %dma_start3A_22 : memref<1x79x128xi32, #tpu.memory_space<hbm>> -> memref<79x128xi32, #tpu.memory_space<hbm>>
      tpu.enqueue_dma source(%dma_start3A_23 : memref<79x128xi32, #tpu.memory_space<hbm>>) target(%arg9 : memref<79x128xi32, #tpu.memory_space<vmem>>) target_semaphore(%run_scoped3A : memref<!tpu.dma_semaphore, #tpu.memory_space<semaphore_mem>>)
      %dma_wait3A = arith.constant 0 : i32
      %dma_wait3A_24 = arith.constant 0 : i32
      %dma_wait3A_25 = tpu.memref_slice %arg4[%add3A, %dma_wait3A, %dma_wait3A_24] : memref<32x79x128xi32, #tpu.memory_space<hbm>> -> memref<1x79x128xi32, #tpu.memory_space<hbm>>
      %dma_wait3A_26 = tpu.memref_squeeze %dma_wait3A_25 : memref<1x79x128xi32, #tpu.memory_space<hbm>> -> memref<79x128xi32, #tpu.memory_space<hbm>>
      %dma_wait3A_27 = arith.constant 0 : i32
      %dma_wait3A_28 = arith.constant 0 : i32
      %dma_wait3A_29 = tpu.memref_slice %arg4[%add3A, %dma_wait3A_27, %dma_wait3A_28] : memref<32x79x128xi32, #tpu.memory_space<hbm>> -> memref<1x79x128xi32, #tpu.memory_space<hbm>>
      %dma_wait3A_30 = tpu.memref_squeeze %dma_wait3A_29 : memref<1x79x128xi32, #tpu.memory_space<hbm>> -> memref<79x128xi32, #tpu.memory_space<hbm>>
      tpu.wait_dma2 semaphore(%run_scoped3A : memref<!tpu.dma_semaphore, #tpu.memory_space<semaphore_mem>>) src(%dma_wait3A_30 : memref<79x128xi32, #tpu.memory_space<hbm>>) dst(%arg9 : memref<79x128xi32, #tpu.memory_space<vmem>>)
      tpu.yield
    }) : () -> ()
    %barrier3A = arith.constant 0 : index
    tpu.barrier barrier_id(%barrier3A)
    %dma_start3A = arith.constant 0 : i32
    %dma_start3A_4 = arith.constant 0 : i32
    %dma_start3A_5 = tpu.memref_slice %arg8[%dma_start3A, %dma_start3A_4] : memref<79x128xi32, #tpu.memory_space<vmem>> -> memref<1x128xi32, #tpu.memory_space<vmem>>
    %dma_start3A_6 = tpu.memref_squeeze %dma_start3A_5 : memref<1x128xi32, #tpu.memory_space<vmem>> -> memref<128xi32, #tpu.memory_space<vmem>>
    %dma_start3A_7 = arith.constant 0 : i32
    %dma_start3A_8 = arith.constant 0 : i32
    %dma_start3A_9 = tpu.memref_slice %arg2[%dma_start3A_7, %dma_start3A_8] : memref<10008x8xf32, #tpu.memory_space<hbm>> -> memref<10008x8xf32, #tpu.memory_space<hbm>>
    tpu.enqueue_indirect_dma source(%dma_start3A_9 : memref<10008x8xf32, #tpu.memory_space<hbm>>) target(%arg10 : memref<128x8xf32, #tpu.memory_space<vmem>>) offsets(%dma_start3A_6 : memref<128xi32, #tpu.memory_space<vmem>>) semaphore(%arg13 : memref<!tpu.dma_semaphore, #tpu.memory_space<semaphore_mem>>)
    %scan3A = arith.constant 0 : i32
    %scan3A_10 = arith.constant 0 : i32
    %scan3A_11 = arith.constant 79 : i32
    %scan3A_12 = arith.addi %scan3A_10, %scan3A_11 : i32
    %scan3A_13 = arith.constant 1 : i32
    scf.for %scan3A_16 = %scan3A_10 to %scan3A_12 step %scan3A_13  : i32 {
      %jit3A = arith.constant 2 : i32
      %eq3A = arith.constant 0 : i32
      %eq3A_17 = arith.cmpi eq, %jit3A, %eq3A : i32
      %jit3A_18 = arith.constant 1 : i32
      %select_n3A = arith.select %eq3A_17, %jit3A_18, %jit3A : i32
      %rem3A = arith.remsi %scan3A_16, %select_n3A : i32
      %ne3A = arith.constant 0 : i32
      %ne3A_19 = arith.cmpi ne, %rem3A, %ne3A : i32
      %lt3A = arith.constant 0 : i32
      %lt3A_20 = arith.cmpi slt, %rem3A, %lt3A : i32
      %lt3A_21 = arith.constant 0 : i32
      %lt3A_22 = arith.cmpi slt, %select_n3A, %lt3A_21 : i32
      %ne3A_23 = arith.xori %lt3A_20, %lt3A_22 : i1
      %and3A = arith.andi %ne3A_23, %ne3A_19 : i1
      %add3A_24 = arith.addi %rem3A, %select_n3A : i32
      %select_n3A_25 = arith.select %and3A, %add3A_24, %rem3A : i32
      %eq3A_26 = arith.constant 0 : i32
      %eq3A_27 = arith.cmpi eq, %select_n3A_25, %eq3A_26 : i32
      %convert_element_type3A = arith.extui %eq3A_27 : i1 to i32
      %cond3A = arith.constant 0 : i32
      %cond3A_28 = arith.cmpi ne, %convert_element_type3A, %cond3A : i32
      scf.if %cond3A_28 {
        %dma_wait3A = arith.constant 0 : i32
        %dma_wait3A_50 = tpu.memref_slice %arg8[%scan3A_16, %dma_wait3A] : memref<79x128xi32, #tpu.memory_space<vmem>> -> memref<1x128xi32, #tpu.memory_space<vmem>>
        %dma_wait3A_51 = tpu.memref_squeeze %dma_wait3A_50 : memref<1x128xi32, #tpu.memory_space<vmem>> -> memref<128xi32, #tpu.memory_space<vmem>>
        %dma_wait3A_52 = arith.constant 0 : i32
        %dma_wait3A_53 = arith.constant 0 : i32
        %dma_wait3A_54 = tpu.memref_slice %arg2[%dma_wait3A_52, %dma_wait3A_53] : memref<10008x8xf32, #tpu.memory_space<hbm>> -> memref<10008x8xf32, #tpu.memory_space<hbm>>
        tpu.wait_indirect_dma semaphore(%arg13 : memref<!tpu.dma_semaphore, #tpu.memory_space<semaphore_mem>>) src(%dma_wait3A_54 : memref<10008x8xf32, #tpu.memory_space<hbm>>) dst(%arg10 : memref<128x8xf32, #tpu.memory_space<vmem>>)
        %add3A_55 = arith.constant 1 : i32
        %add3A_56 = arith.addi %scan3A_16, %add3A_55 : i32
        %lt3A_57 = arith.constant 79 : i32
        %lt3A_58 = arith.cmpi slt, %add3A_56, %lt3A_57 : i32
        %convert_element_type3A_59 = arith.extui %lt3A_58 : i1 to i32
        %cond3A_60 = arith.constant 0 : i32
        %cond3A_61 = arith.cmpi ne, %convert_element_type3A_59, %cond3A_60 : i32
        scf.if %cond3A_61 {
          %add3A_62 = arith.constant 1 : i32
          %add3A_63 = arith.addi %scan3A_16, %add3A_62 : i32
          %dma_start3A_64 = arith.constant 0 : i32
          %dma_start3A_65 = tpu.memref_slice %arg8[%add3A_63, %dma_start3A_64] : memref<79x128xi32, #tpu.memory_space<vmem>> -> memref<1x128xi32, #tpu.memory_space<vmem>>
          %dma_start3A_66 = tpu.memref_squeeze %dma_start3A_65 : memref<1x128xi32, #tpu.memory_space<vmem>> -> memref<128xi32, #tpu.memory_space<vmem>>
          %dma_start3A_67 = arith.constant 0 : i32
          %dma_start3A_68 = arith.constant 0 : i32
          %dma_start3A_69 = tpu.memref_slice %arg2[%dma_start3A_67, %dma_start3A_68] : memref<10008x8xf32, #tpu.memory_space<hbm>> -> memref<10008x8xf32, #tpu.memory_space<hbm>>
          tpu.enqueue_indirect_dma source(%dma_start3A_69 : memref<10008x8xf32, #tpu.memory_space<hbm>>) target(%arg11 : memref<128x8xf32, #tpu.memory_space<vmem>>) offsets(%dma_start3A_66 : memref<128xi32, #tpu.memory_space<vmem>>) semaphore(%arg14 : memref<!tpu.dma_semaphore, #tpu.memory_space<semaphore_mem>>)
        } else {
        }
        "tpu.region"() ({
          %run_scoped3A = tpu.sem_alloc : memref<!tpu.dma_semaphore, #tpu.memory_space<semaphore_mem>>
          %dma_start3A_62 = arith.constant 0 : i32
          %dma_start3A_63 = tpu.memref_slice %arg9[%scan3A_16, %dma_start3A_62] : memref<79x128xi32, #tpu.memory_space<vmem>> -> memref<1x128xi32, #tpu.memory_space<vmem>>
          %dma_start3A_64 = tpu.memref_squeeze %dma_start3A_63 : memref<1x128xi32, #tpu.memory_space<vmem>> -> memref<128xi32, #tpu.memory_space<vmem>>
          %dma_start3A_65 = arith.constant 0 : i32
          %dma_start3A_66 = arith.constant 0 : i32
          %dma_start3A_67 = tpu.memref_slice %arg7[%dma_start3A_65, %dma_start3A_66] : memref<10008x8xf32, #tpu.memory_space<vmem_shared>> -> memref<10008x8xf32, #tpu.memory_space<vmem_shared>>
          tpu.enqueue_indirect_dma source(%arg10 : memref<128x8xf32, #tpu.memory_space<vmem>>) target(%dma_start3A_67 : memref<10008x8xf32, #tpu.memory_space<vmem_shared>>) offsets(%dma_start3A_64 : memref<128xi32, #tpu.memory_space<vmem>>) semaphore(%run_scoped3A : memref<!tpu.dma_semaphore, #tpu.memory_space<semaphore_mem>>) {add = true}
          %dma_wait3A_68 = arith.constant 0 : i32
          %dma_wait3A_69 = tpu.memref_slice %arg9[%scan3A_16, %dma_wait3A_68] : memref<79x128xi32, #tpu.memory_space<vmem>> -> memref<1x128xi32, #tpu.memory_space<vmem>>
          %dma_wait3A_70 = tpu.memref_squeeze %dma_wait3A_69 : memref<1x128xi32, #tpu.memory_space<vmem>> -> memref<128xi32, #tpu.memory_space<vmem>>
          %dma_wait3A_71 = arith.constant 0 : i32
          %dma_wait3A_72 = arith.constant 0 : i32
          %dma_wait3A_73 = tpu.memref_slice %arg7[%dma_wait3A_71, %dma_wait3A_72] : memref<10008x8xf32, #tpu.memory_space<vmem_shared>> -> memref<10008x8xf32, #tpu.memory_space<vmem_shared>>
          tpu.wait_indirect_dma semaphore(%run_scoped3A : memref<!tpu.dma_semaphore, #tpu.memory_space<semaphore_mem>>) src(%arg10 : memref<128x8xf32, #tpu.memory_space<vmem>>) dst(%dma_wait3A_73 : memref<10008x8xf32, #tpu.memory_space<vmem_shared>>)
          tpu.yield
        }) : () -> ()
      } else {
      }
      %jit3A_29 = arith.constant 2 : i32
      %eq3A_30 = arith.constant 0 : i32
      %eq3A_31 = arith.cmpi eq, %jit3A_29, %eq3A_30 : i32
      %jit3A_32 = arith.constant 1 : i32
      %select_n3A_33 = arith.select %eq3A_31, %jit3A_32, %jit3A_29 : i32
      %rem3A_34 = arith.remsi %scan3A_16, %select_n3A_33 : i32
      %ne3A_35 = arith.constant 0 : i32
      %ne3A_36 = arith.cmpi ne, %rem3A_34, %ne3A_35 : i32
      %lt3A_37 = arith.constant 0 : i32
      %lt3A_38 = arith.cmpi slt, %rem3A_34, %lt3A_37 : i32
      %lt3A_39 = arith.constant 0 : i32
      %lt3A_40 = arith.cmpi slt, %select_n3A_33, %lt3A_39 : i32
      %ne3A_41 = arith.xori %lt3A_38, %lt3A_40 : i1
      %and3A_42 = arith.andi %ne3A_41, %ne3A_36 : i1
      %add3A_43 = arith.addi %rem3A_34, %select_n3A_33 : i32
      %select_n3A_44 = arith.select %and3A_42, %add3A_43, %rem3A_34 : i32
      %eq3A_45 = arith.constant 1 : i32
      %eq3A_46 = arith.cmpi eq, %select_n3A_44, %eq3A_45 : i32
      %convert_element_type3A_47 = arith.extui %eq3A_46 : i1 to i32
      %cond3A_48 = arith.constant 0 : i32
      %cond3A_49 = arith.cmpi ne, %convert_element_type3A_47, %cond3A_48 : i32
      scf.if %cond3A_49 {
        %dma_wait3A = arith.constant 0 : i32
        %dma_wait3A_50 = tpu.memref_slice %arg8[%scan3A_16, %dma_wait3A] : memref<79x128xi32, #tpu.memory_space<vmem>> -> memref<1x128xi32, #tpu.memory_space<vmem>>
        %dma_wait3A_51 = tpu.memref_squeeze %dma_wait3A_50 : memref<1x128xi32, #tpu.memory_space<vmem>> -> memref<128xi32, #tpu.memory_space<vmem>>
        %dma_wait3A_52 = arith.constant 0 : i32
        %dma_wait3A_53 = arith.constant 0 : i32
        %dma_wait3A_54 = tpu.memref_slice %arg2[%dma_wait3A_52, %dma_wait3A_53] : memref<10008x8xf32, #tpu.memory_space<hbm>> -> memref<10008x8xf32, #tpu.memory_space<hbm>>
        tpu.wait_indirect_dma semaphore(%arg14 : memref<!tpu.dma_semaphore, #tpu.memory_space<semaphore_mem>>) src(%dma_wait3A_54 : memref<10008x8xf32, #tpu.memory_space<hbm>>) dst(%arg11 : memref<128x8xf32, #tpu.memory_space<vmem>>)
        %add3A_55 = arith.constant 1 : i32
        %add3A_56 = arith.addi %scan3A_16, %add3A_55 : i32
        %lt3A_57 = arith.constant 79 : i32
        %lt3A_58 = arith.cmpi slt, %add3A_56, %lt3A_57 : i32
        %convert_element_type3A_59 = arith.extui %lt3A_58 : i1 to i32
        %cond3A_60 = arith.constant 0 : i32
        %cond3A_61 = arith.cmpi ne, %convert_element_type3A_59, %cond3A_60 : i32
        scf.if %cond3A_61 {
          %add3A_62 = arith.constant 1 : i32
          %add3A_63 = arith.addi %scan3A_16, %add3A_62 : i32
          %dma_start3A_64 = arith.constant 0 : i32
          %dma_start3A_65 = tpu.memref_slice %arg8[%add3A_63, %dma_start3A_64] : memref<79x128xi32, #tpu.memory_space<vmem>> -> memref<1x128xi32, #tpu.memory_space<vmem>>
          %dma_start3A_66 = tpu.memref_squeeze %dma_start3A_65 : memref<1x128xi32, #tpu.memory_space<vmem>> -> memref<128xi32, #tpu.memory_space<vmem>>
          %dma_start3A_67 = arith.constant 0 : i32
          %dma_start3A_68 = arith.constant 0 : i32
          %dma_start3A_69 = tpu.memref_slice %arg2[%dma_start3A_67, %dma_start3A_68] : memref<10008x8xf32, #tpu.memory_space<hbm>> -> memref<10008x8xf32, #tpu.memory_space<hbm>>
          tpu.enqueue_indirect_dma source(%dma_start3A_69 : memref<10008x8xf32, #tpu.memory_space<hbm>>) target(%arg10 : memref<128x8xf32, #tpu.memory_space<vmem>>) offsets(%dma_start3A_66 : memref<128xi32, #tpu.memory_space<vmem>>) semaphore(%arg13 : memref<!tpu.dma_semaphore, #tpu.memory_space<semaphore_mem>>)
        } else {
        }
        "tpu.region"() ({
          %run_scoped3A = tpu.sem_alloc : memref<!tpu.dma_semaphore, #tpu.memory_space<semaphore_mem>>
          %dma_start3A_62 = arith.constant 0 : i32
          %dma_start3A_63 = tpu.memref_slice %arg9[%scan3A_16, %dma_start3A_62] : memref<79x128xi32, #tpu.memory_space<vmem>> -> memref<1x128xi32, #tpu.memory_space<vmem>>
          %dma_start3A_64 = tpu.memref_squeeze %dma_start3A_63 : memref<1x128xi32, #tpu.memory_space<vmem>> -> memref<128xi32, #tpu.memory_space<vmem>>
          %dma_start3A_65 = arith.constant 0 : i32
          %dma_start3A_66 = arith.constant 0 : i32
          %dma_start3A_67 = tpu.memref_slice %arg7[%dma_start3A_65, %dma_start3A_66] : memref<10008x8xf32, #tpu.memory_space<vmem_shared>> -> memref<10008x8xf32, #tpu.memory_space<vmem_shared>>
          tpu.enqueue_indirect_dma source(%arg11 : memref<128x8xf32, #tpu.memory_space<vmem>>) target(%dma_start3A_67 : memref<10008x8xf32, #tpu.memory_space<vmem_shared>>) offsets(%dma_start3A_64 : memref<128xi32, #tpu.memory_space<vmem>>) semaphore(%run_scoped3A : memref<!tpu.dma_semaphore, #tpu.memory_space<semaphore_mem>>) {add = true}
          %dma_wait3A_68 = arith.constant 0 : i32
          %dma_wait3A_69 = tpu.memref_slice %arg9[%scan3A_16, %dma_wait3A_68] : memref<79x128xi32, #tpu.memory_space<vmem>> -> memref<1x128xi32, #tpu.memory_space<vmem>>
          %dma_wait3A_70 = tpu.memref_squeeze %dma_wait3A_69 : memref<1x128xi32, #tpu.memory_space<vmem>> -> memref<128xi32, #tpu.memory_space<vmem>>
          %dma_wait3A_71 = arith.constant 0 : i32
          %dma_wait3A_72 = arith.constant 0 : i32
          %dma_wait3A_73 = tpu.memref_slice %arg7[%dma_wait3A_71, %dma_wait3A_72] : memref<10008x8xf32, #tpu.memory_space<vmem_shared>> -> memref<10008x8xf32, #tpu.memory_space<vmem_shared>>
          tpu.wait_indirect_dma semaphore(%run_scoped3A : memref<!tpu.dma_semaphore, #tpu.memory_space<semaphore_mem>>) src(%arg11 : memref<128x8xf32, #tpu.memory_space<vmem>>) dst(%dma_wait3A_73 : memref<10008x8xf32, #tpu.memory_space<vmem_shared>>)
          tpu.yield
        }) : () -> ()
      } else {
      }
    }
    %scan3A_14 = arith.constant 79 : i32
    %barrier3A_15 = arith.constant 0 : index
    tpu.barrier barrier_id(%barrier3A_15)
    "tpu.region"() ({
      %run_scoped3A = tpu.sem_alloc : memref<!tpu.dma_semaphore, #tpu.memory_space<semaphore_mem>>
      %dma_start3A_16 = arith.constant 0 : i32
      %dma_start3A_17 = tpu.memref_slice %arg7[%min3A_3, %dma_start3A_16] : memref<10008x8xf32, #tpu.memory_space<vmem_shared>> -> memref<632x8xf32, #tpu.memory_space<vmem_shared>>
      %dma_start3A_18 = arith.constant 0 : i32
      %dma_start3A_19 = tpu.memref_slice %arg7[%min3A_3, %dma_start3A_18] : memref<10008x8xf32, #tpu.memory_space<vmem_shared>> -> memref<632x8xf32, #tpu.memory_space<vmem_shared>>
      tpu.enqueue_dma source(%dma_start3A_19 : memref<632x8xf32, #tpu.memory_space<vmem_shared>>) target(%arg12 : memref<632x8xf32, #tpu.memory_space<vmem>>) target_semaphore(%run_scoped3A : memref<!tpu.dma_semaphore, #tpu.memory_space<semaphore_mem>>)
      %dma_wait3A = arith.constant 0 : i32
      %dma_wait3A_20 = tpu.memref_slice %arg7[%min3A_3, %dma_wait3A] : memref<10008x8xf32, #tpu.memory_space<vmem_shared>> -> memref<632x8xf32, #tpu.memory_space<vmem_shared>>
      %dma_wait3A_21 = arith.constant 0 : i32
      %dma_wait3A_22 = tpu.memref_slice %arg7[%min3A_3, %dma_wait3A_21] : memref<10008x8xf32, #tpu.memory_space<vmem_shared>> -> memref<632x8xf32, #tpu.memory_space<vmem_shared>>
      tpu.wait_dma2 semaphore(%run_scoped3A : memref<!tpu.dma_semaphore, #tpu.memory_space<semaphore_mem>>) src(%dma_wait3A_22 : memref<632x8xf32, #tpu.memory_space<vmem_shared>>) dst(%arg12 : memref<632x8xf32, #tpu.memory_space<vmem>>)
      tpu.yield
    }) : () -> ()
    "tpu.region"() ({
      %run_scoped3A = tpu.sem_alloc : memref<!tpu.dma_semaphore, #tpu.memory_space<semaphore_mem>>
      %dma_start3A_16 = arith.constant 0 : i32
      %dma_start3A_17 = tpu.memref_slice %arg6[%arg0, %min3A_3, %dma_start3A_16] : memref<2x10000x8xf32, #tpu.memory_space<hbm>> -> memref<1x632x8xf32, #tpu.memory_space<hbm>>
      %dma_start3A_18 = tpu.memref_squeeze %dma_start3A_17 : memref<1x632x8xf32, #tpu.memory_space<hbm>> -> memref<632x8xf32, #tpu.memory_space<hbm>>
      %dma_start3A_19 = arith.constant 0 : i32
      %dma_start3A_20 = tpu.memref_slice %arg6[%arg0, %min3A_3, %dma_start3A_19] : memref<2x10000x8xf32, #tpu.memory_space<hbm>> -> memref<1x632x8xf32, #tpu.memory_space<hbm>>
      %dma_start3A_21 = tpu.memref_squeeze %dma_start3A_20 : memref<1x632x8xf32, #tpu.memory_space<hbm>> -> memref<632x8xf32, #tpu.memory_space<hbm>>
      tpu.enqueue_dma source(%arg12 : memref<632x8xf32, #tpu.memory_space<vmem>>) target(%dma_start3A_21 : memref<632x8xf32, #tpu.memory_space<hbm>>) target_semaphore(%run_scoped3A : memref<!tpu.dma_semaphore, #tpu.memory_space<semaphore_mem>>)
      %dma_wait3A = arith.constant 0 : i32
      %dma_wait3A_22 = tpu.memref_slice %arg6[%arg0, %min3A_3, %dma_wait3A] : memref<2x10000x8xf32, #tpu.memory_space<hbm>> -> memref<1x632x8xf32, #tpu.memory_space<hbm>>
      %dma_wait3A_23 = tpu.memref_squeeze %dma_wait3A_22 : memref<1x632x8xf32, #tpu.memory_space<hbm>> -> memref<632x8xf32, #tpu.memory_space<hbm>>
      %dma_wait3A_24 = arith.constant 0 : i32
      %dma_wait3A_25 = tpu.memref_slice %arg6[%arg0, %min3A_3, %dma_wait3A_24] : memref<2x10000x8xf32, #tpu.memory_space<hbm>> -> memref<1x632x8xf32, #tpu.memory_space<hbm>>
      %dma_wait3A_26 = tpu.memref_squeeze %dma_wait3A_25 : memref<1x632x8xf32, #tpu.memory_space<hbm>> -> memref<632x8xf32, #tpu.memory_space<hbm>>
      tpu.wait_dma2 semaphore(%run_scoped3A : memref<!tpu.dma_semaphore, #tpu.memory_space<semaphore_mem>>) src(%arg12 : memref<632x8xf32, #tpu.memory_space<vmem>>) dst(%dma_wait3A_26 : memref<632x8xf32, #tpu.memory_space<hbm>>)
      tpu.yield
    }) : () -> ()
    return
  }
}

#map = affine_map<(d0, d1) -> (0, 0)>
#map1 = affine_map<(d0, d1) -> (0, 0, 0)>
module attributes {stable_mosaic.version = 14 : i64} {
  func.func @_agg_body(%arg0: i32, %arg1: i32, %arg2: memref<10008x8xf32, #tpu.memory_space<hbm>>, %arg3: memref<32x79x128xi32, #tpu.memory_space<hbm>>, %arg4: memref<32x79x128xi32, #tpu.memory_space<hbm>>, %arg5: memref<10000x8xf32, #tpu.memory_space<hbm>>, %arg6: memref<2x10000x8xf32, #tpu.memory_space<hbm>>, %arg7: memref<10008x8xf32, #tpu.memory_space<vmem_shared>>, %arg8: memref<79x128xi32, #tpu.memory_space<vmem>>, %arg9: memref<79x128xi32, #tpu.memory_space<vmem>>, %arg10: memref<128x8xf32, #tpu.memory_space<vmem>>, %arg11: memref<128x8xf32, #tpu.memory_space<vmem>>, %arg12: memref<632x8xf32, #tpu.memory_space<vmem>>, %arg13: memref<!tpu.dma_semaphore, #tpu.memory_space<semaphore_mem>>, %arg14: memref<!tpu.dma_semaphore, #tpu.memory_space<semaphore_mem>>) attributes {dimension_semantics = [#tpu.dimension_semantics<core_parallel>, #tpu.dimension_semantics<subcore_parallel>], iteration_bounds = array<i64: 2, 16>, scalar_prefetch = 0 : i64, scratch_operands = 8 : i64, tpu.core_type = #tpu.core_type<sc_vector_subcore>, window_params = [{transform_indices = #map}, {transform_indices = #map1}, {transform_indices = #map1}, {transform_indices = #map}, {transform_indices = #map1}]} {
    %mul3A = arith.constant 16 : i32
    %mul3A_0 = arith.muli %arg0, %mul3A : i32
    %add3A = arith.addi %mul3A_0, %arg1 : i32
    %mul3A_1 = arith.constant 632 : i32
    %mul3A_2 = arith.muli %arg1, %mul3A_1 : i32
    %min3A = arith.constant 9368 : i32
    %min3A_3 = arith.minsi %mul3A_2, %min3A : i32
    "tpu.region"() ({
      %run_scoped3A = tpu.sem_alloc : memref<!tpu.dma_semaphore, #tpu.memory_space<semaphore_mem>>
      %dma_start3A_16 = arith.constant 0 : i32
      %dma_start3A_17 = tpu.memref_slice %arg5[%min3A_3, %dma_start3A_16] : memref<10000x8xf32, #tpu.memory_space<hbm>> -> memref<632x8xf32, #tpu.memory_space<hbm>>
      %dma_start3A_18 = arith.constant 0 : i32
      %dma_start3A_19 = tpu.memref_slice %arg5[%min3A_3, %dma_start3A_18] : memref<10000x8xf32, #tpu.memory_space<hbm>> -> memref<632x8xf32, #tpu.memory_space<hbm>>
      tpu.enqueue_dma source(%dma_start3A_19 : memref<632x8xf32, #tpu.memory_space<hbm>>) target(%arg12 : memref<632x8xf32, #tpu.memory_space<vmem>>) target_semaphore(%run_scoped3A : memref<!tpu.dma_semaphore, #tpu.memory_space<semaphore_mem>>)
      %dma_wait3A = arith.constant 0 : i32
      %dma_wait3A_20 = tpu.memref_slice %arg5[%min3A_3, %dma_wait3A] : memref<10000x8xf32, #tpu.memory_space<hbm>> -> memref<632x8xf32, #tpu.memory_space<hbm>>
      %dma_wait3A_21 = arith.constant 0 : i32
      %dma_wait3A_22 = tpu.memref_slice %arg5[%min3A_3, %dma_wait3A_21] : memref<10000x8xf32, #tpu.memory_space<hbm>> -> memref<632x8xf32, #tpu.memory_space<hbm>>
      tpu.wait_dma2 semaphore(%run_scoped3A : memref<!tpu.dma_semaphore, #tpu.memory_space<semaphore_mem>>) src(%dma_wait3A_22 : memref<632x8xf32, #tpu.memory_space<hbm>>) dst(%arg12 : memref<632x8xf32, #tpu.memory_space<vmem>>)
      tpu.yield
    }) : () -> ()
    "tpu.region"() ({
      %run_scoped3A = tpu.sem_alloc : memref<!tpu.dma_semaphore, #tpu.memory_space<semaphore_mem>>
      %dma_start3A_16 = arith.constant 0 : i32
      %dma_start3A_17 = tpu.memref_slice %arg7[%min3A_3, %dma_start3A_16] : memref<10008x8xf32, #tpu.memory_space<vmem_shared>> -> memref<632x8xf32, #tpu.memory_space<vmem_shared>>
      %dma_start3A_18 = arith.constant 0 : i32
      %dma_start3A_19 = tpu.memref_slice %arg7[%min3A_3, %dma_start3A_18] : memref<10008x8xf32, #tpu.memory_space<vmem_shared>> -> memref<632x8xf32, #tpu.memory_space<vmem_shared>>
      tpu.enqueue_dma source(%arg12 : memref<632x8xf32, #tpu.memory_space<vmem>>) target(%dma_start3A_19 : memref<632x8xf32, #tpu.memory_space<vmem_shared>>) target_semaphore(%run_scoped3A : memref<!tpu.dma_semaphore, #tpu.memory_space<semaphore_mem>>)
      %dma_wait3A = arith.constant 0 : i32
      %dma_wait3A_20 = tpu.memref_slice %arg7[%min3A_3, %dma_wait3A] : memref<10008x8xf32, #tpu.memory_space<vmem_shared>> -> memref<632x8xf32, #tpu.memory_space<vmem_shared>>
      %dma_wait3A_21 = arith.constant 0 : i32
      %dma_wait3A_22 = tpu.memref_slice %arg7[%min3A_3, %dma_wait3A_21] : memref<10008x8xf32, #tpu.memory_space<vmem_shared>> -> memref<632x8xf32, #tpu.memory_space<vmem_shared>>
      tpu.wait_dma2 semaphore(%run_scoped3A : memref<!tpu.dma_semaphore, #tpu.memory_space<semaphore_mem>>) src(%arg12 : memref<632x8xf32, #tpu.memory_space<vmem>>) dst(%dma_wait3A_22 : memref<632x8xf32, #tpu.memory_space<vmem_shared>>)
      tpu.yield
    }) : () -> ()
    "tpu.region"() ({
      %run_scoped3A = tpu.sem_alloc : memref<!tpu.dma_semaphore, #tpu.memory_space<semaphore_mem>>
      %dma_start3A_16 = arith.constant 0 : i32
      %dma_start3A_17 = arith.constant 0 : i32
      %dma_start3A_18 = tpu.memref_slice %arg3[%add3A, %dma_start3A_16, %dma_start3A_17] : memref<32x79x128xi32, #tpu.memory_space<hbm>> -> memref<1x79x128xi32, #tpu.memory_space<hbm>>
      %dma_start3A_19 = tpu.memref_squeeze %dma_start3A_18 : memref<1x79x128xi32, #tpu.memory_space<hbm>> -> memref<79x128xi32, #tpu.memory_space<hbm>>
      %dma_start3A_20 = arith.constant 0 : i32
      %dma_start3A_21 = arith.constant 0 : i32
      %dma_start3A_22 = tpu.memref_slice %arg3[%add3A, %dma_start3A_20, %dma_start3A_21] : memref<32x79x128xi32, #tpu.memory_space<hbm>> -> memref<1x79x128xi32, #tpu.memory_space<hbm>>
      %dma_start3A_23 = tpu.memref_squeeze %dma_start3A_22 : memref<1x79x128xi32, #tpu.memory_space<hbm>> -> memref<79x128xi32, #tpu.memory_space<hbm>>
      tpu.enqueue_dma source(%dma_start3A_23 : memref<79x128xi32, #tpu.memory_space<hbm>>) target(%arg8 : memref<79x128xi32, #tpu.memory_space<vmem>>) target_semaphore(%run_scoped3A : memref<!tpu.dma_semaphore, #tpu.memory_space<semaphore_mem>>)
      %dma_wait3A = arith.constant 0 : i32
      %dma_wait3A_24 = arith.constant 0 : i32
      %dma_wait3A_25 = tpu.memref_slice %arg3[%add3A, %dma_wait3A, %dma_wait3A_24] : memref<32x79x128xi32, #tpu.memory_space<hbm>> -> memref<1x79x128xi32, #tpu.memory_space<hbm>>
      %dma_wait3A_26 = tpu.memref_squeeze %dma_wait3A_25 : memref<1x79x128xi32, #tpu.memory_space<hbm>> -> memref<79x128xi32, #tpu.memory_space<hbm>>
      %dma_wait3A_27 = arith.constant 0 : i32
      %dma_wait3A_28 = arith.constant 0 : i32
      %dma_wait3A_29 = tpu.memref_slice %arg3[%add3A, %dma_wait3A_27, %dma_wait3A_28] : memref<32x79x128xi32, #tpu.memory_space<hbm>> -> memref<1x79x128xi32, #tpu.memory_space<hbm>>
      %dma_wait3A_30 = tpu.memref_squeeze %dma_wait3A_29 : memref<1x79x128xi32, #tpu.memory_space<hbm>> -> memref<79x128xi32, #tpu.memory_space<hbm>>
      tpu.wait_dma2 semaphore(%run_scoped3A : memref<!tpu.dma_semaphore, #tpu.memory_space<semaphore_mem>>) src(%dma_wait3A_30 : memref<79x128xi32, #tpu.memory_space<hbm>>) dst(%arg8 : memref<79x128xi32, #tpu.memory_space<vmem>>)
      tpu.yield
    }) : () -> ()
    "tpu.region"() ({
      %run_scoped3A = tpu.sem_alloc : memref<!tpu.dma_semaphore, #tpu.memory_space<semaphore_mem>>
      %dma_start3A_16 = arith.constant 0 : i32
      %dma_start3A_17 = arith.constant 0 : i32
      %dma_start3A_18 = tpu.memref_slice %arg4[%add3A, %dma_start3A_16, %dma_start3A_17] : memref<32x79x128xi32, #tpu.memory_space<hbm>> -> memref<1x79x128xi32, #tpu.memory_space<hbm>>
      %dma_start3A_19 = tpu.memref_squeeze %dma_start3A_18 : memref<1x79x128xi32, #tpu.memory_space<hbm>> -> memref<79x128xi32, #tpu.memory_space<hbm>>
      %dma_start3A_20 = arith.constant 0 : i32
      %dma_start3A_21 = arith.constant 0 : i32
      %dma_start3A_22 = tpu.memref_slice %arg4[%add3A, %dma_start3A_20, %dma_start3A_21] : memref<32x79x128xi32, #tpu.memory_space<hbm>> -> memref<1x79x128xi32, #tpu.memory_space<hbm>>
      %dma_start3A_23 = tpu.memref_squeeze %dma_start3A_22 : memref<1x79x128xi32, #tpu.memory_space<hbm>> -> memref<79x128xi32, #tpu.memory_space<hbm>>
      tpu.enqueue_dma source(%dma_start3A_23 : memref<79x128xi32, #tpu.memory_space<hbm>>) target(%arg9 : memref<79x128xi32, #tpu.memory_space<vmem>>) target_semaphore(%run_scoped3A : memref<!tpu.dma_semaphore, #tpu.memory_space<semaphore_mem>>)
      %dma_wait3A = arith.constant 0 : i32
      %dma_wait3A_24 = arith.constant 0 : i32
      %dma_wait3A_25 = tpu.memref_slice %arg4[%add3A, %dma_wait3A, %dma_wait3A_24] : memref<32x79x128xi32, #tpu.memory_space<hbm>> -> memref<1x79x128xi32, #tpu.memory_space<hbm>>
      %dma_wait3A_26 = tpu.memref_squeeze %dma_wait3A_25 : memref<1x79x128xi32, #tpu.memory_space<hbm>> -> memref<79x128xi32, #tpu.memory_space<hbm>>
      %dma_wait3A_27 = arith.constant 0 : i32
      %dma_wait3A_28 = arith.constant 0 : i32
      %dma_wait3A_29 = tpu.memref_slice %arg4[%add3A, %dma_wait3A_27, %dma_wait3A_28] : memref<32x79x128xi32, #tpu.memory_space<hbm>> -> memref<1x79x128xi32, #tpu.memory_space<hbm>>
      %dma_wait3A_30 = tpu.memref_squeeze %dma_wait3A_29 : memref<1x79x128xi32, #tpu.memory_space<hbm>> -> memref<79x128xi32, #tpu.memory_space<hbm>>
      tpu.wait_dma2 semaphore(%run_scoped3A : memref<!tpu.dma_semaphore, #tpu.memory_space<semaphore_mem>>) src(%dma_wait3A_30 : memref<79x128xi32, #tpu.memory_space<hbm>>) dst(%arg9 : memref<79x128xi32, #tpu.memory_space<vmem>>)
      tpu.yield
    }) : () -> ()
    %barrier3A = arith.constant 0 : index
    tpu.barrier barrier_id(%barrier3A)
    %dma_start3A = arith.constant 0 : i32
    %dma_start3A_4 = arith.constant 0 : i32
    %dma_start3A_5 = tpu.memref_slice %arg8[%dma_start3A, %dma_start3A_4] : memref<79x128xi32, #tpu.memory_space<vmem>> -> memref<1x128xi32, #tpu.memory_space<vmem>>
    %dma_start3A_6 = tpu.memref_squeeze %dma_start3A_5 : memref<1x128xi32, #tpu.memory_space<vmem>> -> memref<128xi32, #tpu.memory_space<vmem>>
    %dma_start3A_7 = arith.constant 0 : i32
    %dma_start3A_8 = arith.constant 0 : i32
    %dma_start3A_9 = tpu.memref_slice %arg2[%dma_start3A_7, %dma_start3A_8] : memref<10008x8xf32, #tpu.memory_space<hbm>> -> memref<10008x8xf32, #tpu.memory_space<hbm>>
    tpu.enqueue_indirect_dma source(%dma_start3A_9 : memref<10008x8xf32, #tpu.memory_space<hbm>>) target(%arg10 : memref<128x8xf32, #tpu.memory_space<vmem>>) offsets(%dma_start3A_6 : memref<128xi32, #tpu.memory_space<vmem>>) semaphore(%arg13 : memref<!tpu.dma_semaphore, #tpu.memory_space<semaphore_mem>>)
    %scan3A = arith.constant 0 : i32
    %scan3A_10 = arith.constant 0 : i32
    %scan3A_11 = arith.constant 79 : i32
    %scan3A_12 = arith.addi %scan3A_10, %scan3A_11 : i32
    %scan3A_13 = arith.constant 1 : i32
    scf.for %scan3A_16 = %scan3A_10 to %scan3A_12 step %scan3A_13  : i32 {
      %jit3A = arith.constant 2 : i32
      %eq3A = arith.constant 0 : i32
      %eq3A_17 = arith.cmpi eq, %jit3A, %eq3A : i32
      %jit3A_18 = arith.constant 1 : i32
      %select_n3A = arith.select %eq3A_17, %jit3A_18, %jit3A : i32
      %rem3A = arith.remsi %scan3A_16, %select_n3A : i32
      %ne3A = arith.constant 0 : i32
      %ne3A_19 = arith.cmpi ne, %rem3A, %ne3A : i32
      %lt3A = arith.constant 0 : i32
      %lt3A_20 = arith.cmpi slt, %rem3A, %lt3A : i32
      %lt3A_21 = arith.constant 0 : i32
      %lt3A_22 = arith.cmpi slt, %select_n3A, %lt3A_21 : i32
      %ne3A_23 = arith.xori %lt3A_20, %lt3A_22 : i1
      %and3A = arith.andi %ne3A_23, %ne3A_19 : i1
      %add3A_24 = arith.addi %rem3A, %select_n3A : i32
      %select_n3A_25 = arith.select %and3A, %add3A_24, %rem3A : i32
      %eq3A_26 = arith.constant 0 : i32
      %eq3A_27 = arith.cmpi eq, %select_n3A_25, %eq3A_26 : i32
      %convert_element_type3A = arith.extui %eq3A_27 : i1 to i32
      %cond3A = arith.constant 0 : i32
      %cond3A_28 = arith.cmpi ne, %convert_element_type3A, %cond3A : i32
      scf.if %cond3A_28 {
        %dma_wait3A = arith.constant 0 : i32
        %dma_wait3A_50 = tpu.memref_slice %arg8[%scan3A_16, %dma_wait3A] : memref<79x128xi32, #tpu.memory_space<vmem>> -> memref<1x128xi32, #tpu.memory_space<vmem>>
        %dma_wait3A_51 = tpu.memref_squeeze %dma_wait3A_50 : memref<1x128xi32, #tpu.memory_space<vmem>> -> memref<128xi32, #tpu.memory_space<vmem>>
        %dma_wait3A_52 = arith.constant 0 : i32
        %dma_wait3A_53 = arith.constant 0 : i32
        %dma_wait3A_54 = tpu.memref_slice %arg2[%dma_wait3A_52, %dma_wait3A_53] : memref<10008x8xf32, #tpu.memory_space<hbm>> -> memref<10008x8xf32, #tpu.memory_space<hbm>>
        tpu.wait_indirect_dma semaphore(%arg13 : memref<!tpu.dma_semaphore, #tpu.memory_space<semaphore_mem>>) src(%dma_wait3A_54 : memref<10008x8xf32, #tpu.memory_space<hbm>>) dst(%arg10 : memref<128x8xf32, #tpu.memory_space<vmem>>)
        %add3A_55 = arith.constant 1 : i32
        %add3A_56 = arith.addi %scan3A_16, %add3A_55 : i32
        %lt3A_57 = arith.constant 79 : i32
        %lt3A_58 = arith.cmpi slt, %add3A_56, %lt3A_57 : i32
        %convert_element_type3A_59 = arith.extui %lt3A_58 : i1 to i32
        %cond3A_60 = arith.constant 0 : i32
        %cond3A_61 = arith.cmpi ne, %convert_element_type3A_59, %cond3A_60 : i32
        scf.if %cond3A_61 {
          %add3A_62 = arith.constant 1 : i32
          %add3A_63 = arith.addi %scan3A_16, %add3A_62 : i32
          %dma_start3A_64 = arith.constant 0 : i32
          %dma_start3A_65 = tpu.memref_slice %arg8[%add3A_63, %dma_start3A_64] : memref<79x128xi32, #tpu.memory_space<vmem>> -> memref<1x128xi32, #tpu.memory_space<vmem>>
          %dma_start3A_66 = tpu.memref_squeeze %dma_start3A_65 : memref<1x128xi32, #tpu.memory_space<vmem>> -> memref<128xi32, #tpu.memory_space<vmem>>
          %dma_start3A_67 = arith.constant 0 : i32
          %dma_start3A_68 = arith.constant 0 : i32
          %dma_start3A_69 = tpu.memref_slice %arg2[%dma_start3A_67, %dma_start3A_68] : memref<10008x8xf32, #tpu.memory_space<hbm>> -> memref<10008x8xf32, #tpu.memory_space<hbm>>
          tpu.enqueue_indirect_dma source(%dma_start3A_69 : memref<10008x8xf32, #tpu.memory_space<hbm>>) target(%arg11 : memref<128x8xf32, #tpu.memory_space<vmem>>) offsets(%dma_start3A_66 : memref<128xi32, #tpu.memory_space<vmem>>) semaphore(%arg14 : memref<!tpu.dma_semaphore, #tpu.memory_space<semaphore_mem>>)
        } else {
        }
        "tpu.region"() ({
          %run_scoped3A = tpu.sem_alloc : memref<!tpu.dma_semaphore, #tpu.memory_space<semaphore_mem>>
          %dma_start3A_62 = arith.constant 0 : i32
          %dma_start3A_63 = tpu.memref_slice %arg9[%scan3A_16, %dma_start3A_62] : memref<79x128xi32, #tpu.memory_space<vmem>> -> memref<1x128xi32, #tpu.memory_space<vmem>>
          %dma_start3A_64 = tpu.memref_squeeze %dma_start3A_63 : memref<1x128xi32, #tpu.memory_space<vmem>> -> memref<128xi32, #tpu.memory_space<vmem>>
          %dma_start3A_65 = arith.constant 0 : i32
          %dma_start3A_66 = arith.constant 0 : i32
          %dma_start3A_67 = tpu.memref_slice %arg7[%dma_start3A_65, %dma_start3A_66] : memref<10008x8xf32, #tpu.memory_space<vmem_shared>> -> memref<10008x8xf32, #tpu.memory_space<vmem_shared>>
          tpu.enqueue_indirect_dma source(%arg10 : memref<128x8xf32, #tpu.memory_space<vmem>>) target(%dma_start3A_67 : memref<10008x8xf32, #tpu.memory_space<vmem_shared>>) offsets(%dma_start3A_64 : memref<128xi32, #tpu.memory_space<vmem>>) semaphore(%run_scoped3A : memref<!tpu.dma_semaphore, #tpu.memory_space<semaphore_mem>>) {add = true}
          %dma_wait3A_68 = arith.constant 0 : i32
          %dma_wait3A_69 = tpu.memref_slice %arg9[%scan3A_16, %dma_wait3A_68] : memref<79x128xi32, #tpu.memory_space<vmem>> -> memref<1x128xi32, #tpu.memory_space<vmem>>
          %dma_wait3A_70 = tpu.memref_squeeze %dma_wait3A_69 : memref<1x128xi32, #tpu.memory_space<vmem>> -> memref<128xi32, #tpu.memory_space<vmem>>
          %dma_wait3A_71 = arith.constant 0 : i32
          %dma_wait3A_72 = arith.constant 0 : i32
          %dma_wait3A_73 = tpu.memref_slice %arg7[%dma_wait3A_71, %dma_wait3A_72] : memref<10008x8xf32, #tpu.memory_space<vmem_shared>> -> memref<10008x8xf32, #tpu.memory_space<vmem_shared>>
          tpu.wait_indirect_dma semaphore(%run_scoped3A : memref<!tpu.dma_semaphore, #tpu.memory_space<semaphore_mem>>) src(%arg10 : memref<128x8xf32, #tpu.memory_space<vmem>>) dst(%dma_wait3A_73 : memref<10008x8xf32, #tpu.memory_space<vmem_shared>>)
          tpu.yield
        }) : () -> ()
      } else {
      }
      %jit3A_29 = arith.constant 2 : i32
      %eq3A_30 = arith.constant 0 : i32
      %eq3A_31 = arith.cmpi eq, %jit3A_29, %eq3A_30 : i32
      %jit3A_32 = arith.constant 1 : i32
      %select_n3A_33 = arith.select %eq3A_31, %jit3A_32, %jit3A_29 : i32
      %rem3A_34 = arith.remsi %scan3A_16, %select_n3A_33 : i32
      %ne3A_35 = arith.constant 0 : i32
      %ne3A_36 = arith.cmpi ne, %rem3A_34, %ne3A_35 : i32
      %lt3A_37 = arith.constant 0 : i32
      %lt3A_38 = arith.cmpi slt, %rem3A_34, %lt3A_37 : i32
      %lt3A_39 = arith.constant 0 : i32
      %lt3A_40 = arith.cmpi slt, %select_n3A_33, %lt3A_39 : i32
      %ne3A_41 = arith.xori %lt3A_38, %lt3A_40 : i1
      %and3A_42 = arith.andi %ne3A_41, %ne3A_36 : i1
      %add3A_43 = arith.addi %rem3A_34, %select_n3A_33 : i32
      %select_n3A_44 = arith.select %and3A_42, %add3A_43, %rem3A_34 : i32
      %eq3A_45 = arith.constant 1 : i32
      %eq3A_46 = arith.cmpi eq, %select_n3A_44, %eq3A_45 : i32
      %convert_element_type3A_47 = arith.extui %eq3A_46 : i1 to i32
      %cond3A_48 = arith.constant 0 : i32
      %cond3A_49 = arith.cmpi ne, %convert_element_type3A_47, %cond3A_48 : i32
      scf.if %cond3A_49 {
        %dma_wait3A = arith.constant 0 : i32
        %dma_wait3A_50 = tpu.memref_slice %arg8[%scan3A_16, %dma_wait3A] : memref<79x128xi32, #tpu.memory_space<vmem>> -> memref<1x128xi32, #tpu.memory_space<vmem>>
        %dma_wait3A_51 = tpu.memref_squeeze %dma_wait3A_50 : memref<1x128xi32, #tpu.memory_space<vmem>> -> memref<128xi32, #tpu.memory_space<vmem>>
        %dma_wait3A_52 = arith.constant 0 : i32
        %dma_wait3A_53 = arith.constant 0 : i32
        %dma_wait3A_54 = tpu.memref_slice %arg2[%dma_wait3A_52, %dma_wait3A_53] : memref<10008x8xf32, #tpu.memory_space<hbm>> -> memref<10008x8xf32, #tpu.memory_space<hbm>>
        tpu.wait_indirect_dma semaphore(%arg14 : memref<!tpu.dma_semaphore, #tpu.memory_space<semaphore_mem>>) src(%dma_wait3A_54 : memref<10008x8xf32, #tpu.memory_space<hbm>>) dst(%arg11 : memref<128x8xf32, #tpu.memory_space<vmem>>)
        %add3A_55 = arith.constant 1 : i32
        %add3A_56 = arith.addi %scan3A_16, %add3A_55 : i32
        %lt3A_57 = arith.constant 79 : i32
        %lt3A_58 = arith.cmpi slt, %add3A_56, %lt3A_57 : i32
        %convert_element_type3A_59 = arith.extui %lt3A_58 : i1 to i32
        %cond3A_60 = arith.constant 0 : i32
        %cond3A_61 = arith.cmpi ne, %convert_element_type3A_59, %cond3A_60 : i32
        scf.if %cond3A_61 {
          %add3A_62 = arith.constant 1 : i32
          %add3A_63 = arith.addi %scan3A_16, %add3A_62 : i32
          %dma_start3A_64 = arith.constant 0 : i32
          %dma_start3A_65 = tpu.memref_slice %arg8[%add3A_63, %dma_start3A_64] : memref<79x128xi32, #tpu.memory_space<vmem>> -> memref<1x128xi32, #tpu.memory_space<vmem>>
          %dma_start3A_66 = tpu.memref_squeeze %dma_start3A_65 : memref<1x128xi32, #tpu.memory_space<vmem>> -> memref<128xi32, #tpu.memory_space<vmem>>
          %dma_start3A_67 = arith.constant 0 : i32
          %dma_start3A_68 = arith.constant 0 : i32
          %dma_start3A_69 = tpu.memref_slice %arg2[%dma_start3A_67, %dma_start3A_68] : memref<10008x8xf32, #tpu.memory_space<hbm>> -> memref<10008x8xf32, #tpu.memory_space<hbm>>
          tpu.enqueue_indirect_dma source(%dma_start3A_69 : memref<10008x8xf32, #tpu.memory_space<hbm>>) target(%arg10 : memref<128x8xf32, #tpu.memory_space<vmem>>) offsets(%dma_start3A_66 : memref<128xi32, #tpu.memory_space<vmem>>) semaphore(%arg13 : memref<!tpu.dma_semaphore, #tpu.memory_space<semaphore_mem>>)
        } else {
        }
        "tpu.region"() ({
          %run_scoped3A = tpu.sem_alloc : memref<!tpu.dma_semaphore, #tpu.memory_space<semaphore_mem>>
          %dma_start3A_62 = arith.constant 0 : i32
          %dma_start3A_63 = tpu.memref_slice %arg9[%scan3A_16, %dma_start3A_62] : memref<79x128xi32, #tpu.memory_space<vmem>> -> memref<1x128xi32, #tpu.memory_space<vmem>>
          %dma_start3A_64 = tpu.memref_squeeze %dma_start3A_63 : memref<1x128xi32, #tpu.memory_space<vmem>> -> memref<128xi32, #tpu.memory_space<vmem>>
          %dma_start3A_65 = arith.constant 0 : i32
          %dma_start3A_66 = arith.constant 0 : i32
          %dma_start3A_67 = tpu.memref_slice %arg7[%dma_start3A_65, %dma_start3A_66] : memref<10008x8xf32, #tpu.memory_space<vmem_shared>> -> memref<10008x8xf32, #tpu.memory_space<vmem_shared>>
          tpu.enqueue_indirect_dma source(%arg11 : memref<128x8xf32, #tpu.memory_space<vmem>>) target(%dma_start3A_67 : memref<10008x8xf32, #tpu.memory_space<vmem_shared>>) offsets(%dma_start3A_64 : memref<128xi32, #tpu.memory_space<vmem>>) semaphore(%run_scoped3A : memref<!tpu.dma_semaphore, #tpu.memory_space<semaphore_mem>>) {add = true}
          %dma_wait3A_68 = arith.constant 0 : i32
          %dma_wait3A_69 = tpu.memref_slice %arg9[%scan3A_16, %dma_wait3A_68] : memref<79x128xi32, #tpu.memory_space<vmem>> -> memref<1x128xi32, #tpu.memory_space<vmem>>
          %dma_wait3A_70 = tpu.memref_squeeze %dma_wait3A_69 : memref<1x128xi32, #tpu.memory_space<vmem>> -> memref<128xi32, #tpu.memory_space<vmem>>
          %dma_wait3A_71 = arith.constant 0 : i32
          %dma_wait3A_72 = arith.constant 0 : i32
          %dma_wait3A_73 = tpu.memref_slice %arg7[%dma_wait3A_71, %dma_wait3A_72] : memref<10008x8xf32, #tpu.memory_space<vmem_shared>> -> memref<10008x8xf32, #tpu.memory_space<vmem_shared>>
          tpu.wait_indirect_dma semaphore(%run_scoped3A : memref<!tpu.dma_semaphore, #tpu.memory_space<semaphore_mem>>) src(%arg11 : memref<128x8xf32, #tpu.memory_space<vmem>>) dst(%dma_wait3A_73 : memref<10008x8xf32, #tpu.memory_space<vmem_shared>>)
          tpu.yield
        }) : () -> ()
      } else {
      }
    }
    %scan3A_14 = arith.constant 79 : i32
    %barrier3A_15 = arith.constant 0 : index
    tpu.barrier barrier_id(%barrier3A_15)
    "tpu.region"() ({
      %run_scoped3A = tpu.sem_alloc : memref<!tpu.dma_semaphore, #tpu.memory_space<semaphore_mem>>
      %dma_start3A_16 = arith.constant 0 : i32
      %dma_start3A_17 = tpu.memref_slice %arg7[%min3A_3, %dma_start3A_16] : memref<10008x8xf32, #tpu.memory_space<vmem_shared>> -> memref<632x8xf32, #tpu.memory_space<vmem_shared>>
      %dma_start3A_18 = arith.constant 0 : i32
      %dma_start3A_19 = tpu.memref_slice %arg7[%min3A_3, %dma_start3A_18] : memref<10008x8xf32, #tpu.memory_space<vmem_shared>> -> memref<632x8xf32, #tpu.memory_space<vmem_shared>>
      tpu.enqueue_dma source(%dma_start3A_19 : memref<632x8xf32, #tpu.memory_space<vmem_shared>>) target(%arg12 : memref<632x8xf32, #tpu.memory_space<vmem>>) target_semaphore(%run_scoped3A : memref<!tpu.dma_semaphore, #tpu.memory_space<semaphore_mem>>)
      %dma_wait3A = arith.constant 0 : i32
      %dma_wait3A_20 = tpu.memref_slice %arg7[%min3A_3, %dma_wait3A] : memref<10008x8xf32, #tpu.memory_space<vmem_shared>> -> memref<632x8xf32, #tpu.memory_space<vmem_shared>>
      %dma_wait3A_21 = arith.constant 0 : i32
      %dma_wait3A_22 = tpu.memref_slice %arg7[%min3A_3, %dma_wait3A_21] : memref<10008x8xf32, #tpu.memory_space<vmem_shared>> -> memref<632x8xf32, #tpu.memory_space<vmem_shared>>
      tpu.wait_dma2 semaphore(%run_scoped3A : memref<!tpu.dma_semaphore, #tpu.memory_space<semaphore_mem>>) src(%dma_wait3A_22 : memref<632x8xf32, #tpu.memory_space<vmem_shared>>) dst(%arg12 : memref<632x8xf32, #tpu.memory_space<vmem>>)
      tpu.yield
    }) : () -> ()
    "tpu.region"() ({
      %run_scoped3A = tpu.sem_alloc : memref<!tpu.dma_semaphore, #tpu.memory_space<semaphore_mem>>
      %dma_start3A_16 = arith.constant 0 : i32
      %dma_start3A_17 = tpu.memref_slice %arg6[%arg0, %min3A_3, %dma_start3A_16] : memref<2x10000x8xf32, #tpu.memory_space<hbm>> -> memref<1x632x8xf32, #tpu.memory_space<hbm>>
      %dma_start3A_18 = tpu.memref_squeeze %dma_start3A_17 : memref<1x632x8xf32, #tpu.memory_space<hbm>> -> memref<632x8xf32, #tpu.memory_space<hbm>>
      %dma_start3A_19 = arith.constant 0 : i32
      %dma_start3A_20 = tpu.memref_slice %arg6[%arg0, %min3A_3, %dma_start3A_19] : memref<2x10000x8xf32, #tpu.memory_space<hbm>> -> memref<1x632x8xf32, #tpu.memory_space<hbm>>
      %dma_start3A_21 = tpu.memref_squeeze %dma_start3A_20 : memref<1x632x8xf32, #tpu.memory_space<hbm>> -> memref<632x8xf32, #tpu.memory_space<hbm>>
      tpu.enqueue_dma source(%arg12 : memref<632x8xf32, #tpu.memory_space<vmem>>) target(%dma_start3A_21 : memref<632x8xf32, #tpu.memory_space<hbm>>) target_semaphore(%run_scoped3A : memref<!tpu.dma_semaphore, #tpu.memory_space<semaphore_mem>>)
      %dma_wait3A = arith.constant 0 : i32
      %dma_wait3A_22 = tpu.memref_slice %arg6[%arg0, %min3A_3, %dma_wait3A] : memref<2x10000x8xf32, #tpu.memory_space<hbm>> -> memref<1x632x8xf32, #tpu.memory_space<hbm>>
      %dma_wait3A_23 = tpu.memref_squeeze %dma_wait3A_22 : memref<1x632x8xf32, #tpu.memory_space<hbm>> -> memref<632x8xf32, #tpu.memory_space<hbm>>
      %dma_wait3A_24 = arith.constant 0 : i32
      %dma_wait3A_25 = tpu.memref_slice %arg6[%arg0, %min3A_3, %dma_wait3A_24] : memref<2x10000x8xf32, #tpu.memory_space<hbm>> -> memref<1x632x8xf32, #tpu.memory_space<hbm>>
      %dma_wait3A_26 = tpu.memref_squeeze %dma_wait3A_25 : memref<1x632x8xf32, #tpu.memory_space<hbm>> -> memref<632x8xf32, #tpu.memory_space<hbm>>
      tpu.wait_dma2 semaphore(%run_scoped3A : memref<!tpu.dma_semaphore, #tpu.memory_space<semaphore_mem>>) src(%arg12 : memref<632x8xf32, #tpu.memory_space<vmem>>) dst(%dma_wait3A_26 : memref<632x8xf32, #tpu.memory_space<hbm>>)
      tpu.yield
    }) : () -> ()
    return
  }
}

module attributes {stable_mosaic.version = 14 : i64} {
  func.func @_stage1_body(%arg0: memref<2x10000x8xf32, #tpu.memory_space<vmem>>, %arg1: memref<10000x128xf32, #tpu.memory_space<vmem>>, %arg2: memref<128x8xf32, #tpu.memory_space<vmem>>, %arg3: memref<10000x1xf32, #tpu.memory_space<vmem>>, %arg4: memref<10008x8xf32, #tpu.memory_space<vmem>>) attributes {dimension_semantics = [], scalar_prefetch = 0 : i64, scratch_operands = 0 : i64, tpu.core_type = #tpu.core_type<tc>} {
    %get3A = arith.constant 0 : index
    %get3A_0 = arith.constant 0 : index
    %get3A_1 = arith.constant 0 : index
    %get3A_2 = vector.load %arg0[%get3A, %get3A_0, %get3A_1] : memref<2x10000x8xf32, #tpu.memory_space<vmem>>, vector<1x10000x8xf32>
    %get3A_3 = vector.shape_cast %get3A_2 : vector<1x10000x8xf32> to vector<10000x8xf32>
    %slice3A = vector.extract_strided_slice %get3A_3 {offsets = [0, 0], sizes = [10000, 1], strides = [1, 1]} : vector<10000x8xf32> to vector<10000x1xf32>
    %get3A_4 = arith.constant 1 : index
    %get3A_5 = arith.constant 0 : index
    %get3A_6 = arith.constant 0 : index
    %get3A_7 = vector.load %arg0[%get3A_4, %get3A_5, %get3A_6] : memref<2x10000x8xf32, #tpu.memory_space<vmem>>, vector<1x10000x8xf32>
    %get3A_8 = vector.shape_cast %get3A_7 : vector<1x10000x8xf32> to vector<10000x8xf32>
    %slice3A_9 = vector.extract_strided_slice %get3A_8 {offsets = [0, 0], sizes = [10000, 1], strides = [1, 1]} : vector<10000x8xf32> to vector<10000x1xf32>
    %add3A = arith.addf %slice3A, %slice3A_9 : vector<10000x1xf32>
    %add3A_10 = arith.constant 1.000000e+00 : f32
    %add3A_11 = vector.broadcast %add3A_10 : f32 to vector<10000x1xf32>
    %add3A_12 = arith.addf %add3A, %add3A_11 : vector<10000x1xf32>
    %rsqrt3A = math.rsqrt %add3A_12 : vector<10000x1xf32>
    %swap3A = arith.constant 0 : index
    %swap3A_13 = arith.constant 0 : index
    %swap3A_14 = vector.load %arg3[%swap3A, %swap3A_13] : memref<10000x1xf32, #tpu.memory_space<vmem>>, vector<10000x1xf32>
    tpu.vector_store %arg3[%swap3A, %swap3A_13], %rsqrt3A {strides = array<i32>} : memref<10000x1xf32, #tpu.memory_space<vmem>>, vector<10000x1xf32>,
    %get3A_15 = arith.constant 0 : index
    %get3A_16 = arith.constant 0 : index
    %get3A_17 = vector.load %arg1[%get3A_15, %get3A_16] : memref<10000x128xf32, #tpu.memory_space<vmem>>, vector<10000x128xf32>
    %get3A_18 = arith.constant 0 : index
    %get3A_19 = arith.constant 0 : index
    %get3A_20 = vector.load %arg2[%get3A_18, %get3A_19] : memref<128x8xf32, #tpu.memory_space<vmem>>, vector<128x8xf32>
    %dot_general3A = arith.constant dense<0.000000e+00> : vector<10000x8xf32>
    %dot_general3A_21 = tpu.matmul %get3A_17, %get3A_20, %dot_general3A {dimension_numbers = #tpu.dot_dimension_numbers<[1], [0], [0], [1], [0, 0, 1, 1], [], []>, transpose_lhs_hint = false} : vector<10000x128xf32>, vector<128x8xf32>, vector<10000x8xf32> -> vector<10000x8xf32>
    %mul3A = vector.broadcast %rsqrt3A : vector<10000x1xf32> to vector<10000x8xf32>
    %mul3A_22 = arith.mulf %dot_general3A_21, %mul3A : vector<10000x8xf32>
    %swap3A_23 = arith.constant 0 : index
    %swap3A_24 = arith.constant 0 : index
    %swap3A_25 = vector.load %arg4[%swap3A_23, %swap3A_24] : memref<10008x8xf32, #tpu.memory_space<vmem>>, vector<10000x8xf32>
    tpu.vector_store %arg4[%swap3A_23, %swap3A_24], %mul3A_22 {strides = array<i32>} : memref<10008x8xf32, #tpu.memory_space<vmem>>, vector<10000x8xf32>,
    %broadcast_in_dim3A = arith.constant 0.000000e+00 : f32
    %broadcast_in_dim3A_26 = vector.broadcast %broadcast_in_dim3A : f32 to vector<8x8xf32>
    %swap3A_27 = arith.constant 10000 : index
    %swap3A_28 = arith.constant 0 : index
    %swap3A_29 = vector.load %arg4[%swap3A_27, %swap3A_28] : memref<10008x8xf32, #tpu.memory_space<vmem>>, vector<8x8xf32>
    tpu.vector_store %arg4[%swap3A_27, %swap3A_28], %broadcast_in_dim3A_26 {strides = array<i32>} : memref<10008x8xf32, #tpu.memory_space<vmem>>, vector<8x8xf32>,
    return
  }
}

module attributes {stable_mosaic.version = 14 : i64} {
  func.func @_mid_body(%arg0: memref<2x10000x8xf32, #tpu.memory_space<vmem>>, %arg1: memref<10008x8xf32, #tpu.memory_space<vmem>>, %arg2: memref<10000x1xf32, #tpu.memory_space<vmem>>, %arg3: memref<8x8xf32, #tpu.memory_space<vmem>>, %arg4: memref<1x8xf32, #tpu.memory_space<vmem>>, %arg5: memref<10008x8xf32, #tpu.memory_space<vmem>>) attributes {dimension_semantics = [], scalar_prefetch = 0 : i64, scratch_operands = 0 : i64, tpu.core_type = #tpu.core_type<tc>} {
    %get3A = arith.constant 0 : index
    %get3A_0 = arith.constant 0 : index
    %get3A_1 = arith.constant 0 : index
    %get3A_2 = vector.load %arg0[%get3A, %get3A_0, %get3A_1] : memref<2x10000x8xf32, #tpu.memory_space<vmem>>, vector<1x10000x8xf32>
    %get3A_3 = vector.shape_cast %get3A_2 : vector<1x10000x8xf32> to vector<10000x8xf32>
    %get3A_4 = arith.constant 1 : index
    %get3A_5 = arith.constant 0 : index
    %get3A_6 = arith.constant 0 : index
    %get3A_7 = vector.load %arg0[%get3A_4, %get3A_5, %get3A_6] : memref<2x10000x8xf32, #tpu.memory_space<vmem>>, vector<1x10000x8xf32>
    %get3A_8 = vector.shape_cast %get3A_7 : vector<1x10000x8xf32> to vector<10000x8xf32>
    %add3A = arith.addf %get3A_3, %get3A_8 : vector<10000x8xf32>
    %get3A_9 = arith.constant 0 : index
    %get3A_10 = arith.constant 0 : index
    %get3A_11 = vector.load %arg1[%get3A_9, %get3A_10] : memref<10008x8xf32, #tpu.memory_space<vmem>>, vector<10000x8xf32>
    %add3A_12 = arith.addf %add3A, %get3A_11 : vector<10000x8xf32>
    %get3A_13 = arith.constant 0 : index
    %get3A_14 = arith.constant 0 : index
    %get3A_15 = vector.load %arg2[%get3A_13, %get3A_14] : memref<10000x1xf32, #tpu.memory_space<vmem>>, vector<10000x1xf32>
    %mul3A = vector.broadcast %get3A_15 : vector<10000x1xf32> to vector<10000x8xf32>
    %mul3A_16 = arith.mulf %add3A_12, %mul3A : vector<10000x8xf32>
    %get3A_17 = arith.constant 0 : index
    %get3A_18 = arith.constant 0 : index
    %get3A_19 = vector.load %arg4[%get3A_17, %get3A_18] : memref<1x8xf32, #tpu.memory_space<vmem>>, vector<1x8xf32>
    %add3A_20 = vector.broadcast %get3A_19 : vector<1x8xf32> to vector<10000x8xf32>
    %add3A_21 = arith.addf %mul3A_16, %add3A_20 : vector<10000x8xf32>
    %tanh3A = math.tanh %add3A_21 : vector<10000x8xf32>
    %get3A_22 = arith.constant 0 : index
    %get3A_23 = arith.constant 0 : index
    %get3A_24 = vector.load %arg3[%get3A_22, %get3A_23] : memref<8x8xf32, #tpu.memory_space<vmem>>, vector<8x8xf32>
    %dot_general3A = arith.constant dense<0.000000e+00> : vector<10000x8xf32>
    %dot_general3A_25 = tpu.matmul %tanh3A, %get3A_24, %dot_general3A {dimension_numbers = #tpu.dot_dimension_numbers<[1], [0], [0], [1], [0, 0, 1, 1], [], []>, transpose_lhs_hint = false} : vector<10000x8xf32>, vector<8x8xf32>, vector<10000x8xf32> -> vector<10000x8xf32>
    %mul3A_26 = vector.broadcast %get3A_15 : vector<10000x1xf32> to vector<10000x8xf32>
    %mul3A_27 = arith.mulf %dot_general3A_25, %mul3A_26 : vector<10000x8xf32>
    %swap3A = arith.constant 0 : index
    %swap3A_28 = arith.constant 0 : index
    %swap3A_29 = vector.load %arg5[%swap3A, %swap3A_28] : memref<10008x8xf32, #tpu.memory_space<vmem>>, vector<10000x8xf32>
    tpu.vector_store %arg5[%swap3A, %swap3A_28], %mul3A_27 {strides = array<i32>} : memref<10008x8xf32, #tpu.memory_space<vmem>>, vector<10000x8xf32>,
    %broadcast_in_dim3A = arith.constant 0.000000e+00 : f32
    %broadcast_in_dim3A_30 = vector.broadcast %broadcast_in_dim3A : f32 to vector<8x8xf32>
    %swap3A_31 = arith.constant 10000 : index
    %swap3A_32 = arith.constant 0 : index
    %swap3A_33 = vector.load %arg5[%swap3A_31, %swap3A_32] : memref<10008x8xf32, #tpu.memory_space<vmem>>, vector<8x8xf32>
    tpu.vector_store %arg5[%swap3A_31, %swap3A_32], %broadcast_in_dim3A_30 {strides = array<i32>} : memref<10008x8xf32, #tpu.memory_space<vmem>>, vector<8x8xf32>,
    return
  }
}

module attributes {stable_mosaic.version = 14 : i64} {
  func.func @_fin_body(%arg0: memref<2x10000x8xf32, #tpu.memory_space<vmem>>, %arg1: memref<10008x8xf32, #tpu.memory_space<vmem>>, %arg2: memref<10000x1xf32, #tpu.memory_space<vmem>>, %arg3: memref<1x8xf32, #tpu.memory_space<vmem>>, %arg4: memref<8x4xf32, #tpu.memory_space<vmem>>, %arg5: memref<1x4xf32, #tpu.memory_space<vmem>>, %arg6: memref<10000x4xf32, #tpu.memory_space<vmem>>) attributes {dimension_semantics = [], scalar_prefetch = 0 : i64, scratch_operands = 0 : i64, tpu.core_type = #tpu.core_type<tc>} {
    %get3A = arith.constant 0 : index
    %get3A_0 = arith.constant 0 : index
    %get3A_1 = arith.constant 0 : index
    %get3A_2 = vector.load %arg0[%get3A, %get3A_0, %get3A_1] : memref<2x10000x8xf32, #tpu.memory_space<vmem>>, vector<1x10000x8xf32>
    %get3A_3 = vector.shape_cast %get3A_2 : vector<1x10000x8xf32> to vector<10000x8xf32>
    %get3A_4 = arith.constant 1 : index
    %get3A_5 = arith.constant 0 : index
    %get3A_6 = arith.constant 0 : index
    %get3A_7 = vector.load %arg0[%get3A_4, %get3A_5, %get3A_6] : memref<2x10000x8xf32, #tpu.memory_space<vmem>>, vector<1x10000x8xf32>
    %get3A_8 = vector.shape_cast %get3A_7 : vector<1x10000x8xf32> to vector<10000x8xf32>
    %add3A = arith.addf %get3A_3, %get3A_8 : vector<10000x8xf32>
    %get3A_9 = arith.constant 0 : index
    %get3A_10 = arith.constant 0 : index
    %get3A_11 = vector.load %arg1[%get3A_9, %get3A_10] : memref<10008x8xf32, #tpu.memory_space<vmem>>, vector<10000x8xf32>
    %add3A_12 = arith.addf %add3A, %get3A_11 : vector<10000x8xf32>
    %get3A_13 = arith.constant 0 : index
    %get3A_14 = arith.constant 0 : index
    %get3A_15 = vector.load %arg2[%get3A_13, %get3A_14] : memref<10000x1xf32, #tpu.memory_space<vmem>>, vector<10000x1xf32>
    %mul3A = vector.broadcast %get3A_15 : vector<10000x1xf32> to vector<10000x8xf32>
    %mul3A_16 = arith.mulf %add3A_12, %mul3A : vector<10000x8xf32>
    %get3A_17 = arith.constant 0 : index
    %get3A_18 = arith.constant 0 : index
    %get3A_19 = vector.load %arg3[%get3A_17, %get3A_18] : memref<1x8xf32, #tpu.memory_space<vmem>>, vector<1x8xf32>
    %add3A_20 = vector.broadcast %get3A_19 : vector<1x8xf32> to vector<10000x8xf32>
    %add3A_21 = arith.addf %mul3A_16, %add3A_20 : vector<10000x8xf32>
    %tanh3A = math.tanh %add3A_21 : vector<10000x8xf32>
    %get3A_22 = arith.constant 0 : index
    %get3A_23 = arith.constant 0 : index
    %get3A_24 = vector.load %arg4[%get3A_22, %get3A_23] : memref<8x4xf32, #tpu.memory_space<vmem>>, vector<8x4xf32>
    %dot_general3A = arith.constant dense<0.000000e+00> : vector<10000x4xf32>
    %dot_general3A_25 = tpu.matmul %tanh3A, %get3A_24, %dot_general3A {dimension_numbers = #tpu.dot_dimension_numbers<[1], [0], [0], [1], [0, 0, 1, 1], [], []>, transpose_lhs_hint = false} : vector<10000x8xf32>, vector<8x4xf32>, vector<10000x4xf32> -> vector<10000x4xf32>
    %get3A_26 = arith.constant 0 : index
    %get3A_27 = arith.constant 0 : index
    %get3A_28 = vector.load %arg5[%get3A_26, %get3A_27] : memref<1x4xf32, #tpu.memory_space<vmem>>, vector<1x4xf32>
    %add3A_29 = vector.broadcast %get3A_28 : vector<1x4xf32> to vector<10000x4xf32>
    %add3A_30 = arith.addf %dot_general3A_25, %add3A_29 : vector<10000x4xf32>
    %swap3A = arith.constant 0 : index
    %swap3A_31 = arith.constant 0 : index
    %swap3A_32 = vector.load %arg6[%swap3A, %swap3A_31] : memref<10000x4xf32, #tpu.memory_space<vmem>>, vector<10000x4xf32>
    tpu.vector_store %arg6[%swap3A, %swap3A_31], %add3A_30 {strides = array<i32>} : memref<10000x4xf32, #tpu.memory_space<vmem>>, vector<10000x4xf32>,
    return
  }
}

</mosaic_0001>

<sc_bundles>
// kernel: kernel.10.cloned.1.call-start
scs
__scs_entry_jumppad:
0x0: {  	(pc) =	sbr.rel $0x88, $3  }
0x1: {  	(tag) =	ssettag $0x0;
	lr =	simm.s32 $0x1  }
0x2: {  	[smem:$0x3F97] =	sst lr;
	_ =	strace $0xD0000000  }
0x3: {  	_ = 	snop  }
0x4: {  	_ = 	snop  }
0x5: {  	_ = 	snop  }
0x6: {  	_ = 	snop  }
0x7: {  	_ = 	snop  }
__scs_overlays_trampoline_lowered:
0x8: {  	[smem:$0x3FA6] =	sst s0  }
0x9: {  	[smem:$0x3FA7] =	sst s1  }
0xa: {  	[smem:$0x3FA8] =	sst s2  }
0xb: {  	[smem:$0x3FA9] =	sst s3  }
0xc: {  	[smem:$0x3FAA] =	sst s4  }
0xd: {  	[smem:$0x3FAB] =	sst s5  }
0xe: {  	[smem:$0x3FAC] =	sst s6  }
0xf: {  	[smem:$0x3FAD] =	sst s7  }
0x10: {  	[smem:$0x3FAE] =	sst s8  }
0x11: {  	[smem:$0x3FAF] =	sst s9;
	s0 =	simm.s32 @!p0 $0x0  }
0x12: {  	s1 =	sld [smem:$0x3F95];
	s0 =	simm.s32 @p0 $0x1  }
0x13: {  	[smem:$0x3FB0] =	sst s0;
	s0 =	simm.s32 @!p1 $0x0  }
0x14: {  	s2 =	sld [smem:$0x3F94];
	s0 =	simm.s32 @p1 $0x1  }
0x15: {  	[smem:$0x3FB1] =	sst s0;
	s0 =	simm.s32 @!p2 $0x0  }
0x16: {  	s3 =	sld [smem:$0x3FDB];
	s0 =	simm.s32 @p2 $0x1  }
0x17: {  	s4 =	simm.s32 $0x1BF5;
	[smem:$0x3FB3] =	sst s0  }
0x18: {  	s0 =	sld [smem:$0x3F96];
	_ =	swait.ge [sflag:s4], $0x0  }
0x19: {  	s7 =	sld [smem:$0x3F97]  }
0x1a: {  	s8 =	sadd.s32 $0xFFFFE003, lr  }
0x1b: {  	s9 =	sadd.s32 $0xFFFFFEF7, lr;
	s5 =	simm.s32 $0xFFFFFFFF;
	p2 =	slt.u32 s8, $0xFFFFF086  }
0x1c: {  	p1 =	slt.u32 s9, $0xF7A;
	s5 =	simm.s32 @!p2 $0x0  }
0x1d: {  	s5 =	simm.s32 @p1 $0x1;
	p0 =	seq.s32 s7, s2  }
0x1e: {  	s7 =	smul.u32 @!p0 $0xF7A, s2;
	p2 =	seq.s32 @!p0 s5, $0x0  }
0x1f: {  	s9 =	smul.u32 $0xF7A, s1;
	s8 =	simm.s32 @!p0 $0x1BF5;
	p2 =	por !p2, p0  }
0x20: {  	[sflag:s8] =	ssyncset.s32 @!p0 $0xFFFFF086;
	s6 =	sadd.s32 @!p0 s3, s7;
	s7 =	simm.s32 @!p0 $0x108  }
0x21: {  	s3 =	sadd.s32 s3, s9;
	s6 =	sadd.s32 @!p0 $0x88, s6;
	s7 =	simm.s32 @p2 $0x1082  }
0x22: {  	[simem:s7], [sflag:s8] =	dma.local @!p0 [hbm:s6], $0xF7A  }
0x23: {  	s9 =	sor.u32 $0xD0000000, s2;
	s6 =	simm.s32 $0x108;
	_ =	swait.ge @!p0 [sflag:s8], $0x0  }
0x24: {  	s3 =	sadd.s32 $0x88, s3;
	s6 =	simm.s32 @!p1 $0x1082;
	[sflag:s4] =	ssyncset.s32 $0xFFFFF086  }
0x25: {  	[simem:s6], [sflag:s4] =	dma.local [hbm:s3], $0xF7A  }
0x26: {  	[smem:$0x3F97] =	sst s1;
	(tag) =	ssettag s2;
	_ =	strace s9  }
0x27: {  	s1 =	sld [smem:$0x3FA7]  }
0x28: {  	s2 =	sld [smem:$0x3FA8]  }
0x29: {  	s4 =	sld [smem:$0x3FAA]  }
0x2a: {  	p0 =	seq.s32 s5, $0x0;
	s5 =	sld [smem:$0x3FAB]  }
0x2b: {  	s6 =	sld [smem:$0x3FAC]  }
0x2c: {  	s7 =	sld [smem:$0x3FAD]  }
0x2d: {  	s3 =	simm.s32 $0x108;
	s8 =	sld [smem:$0x3FAE]  }
0x2e: {  	s3 =	simm.s32 @!p0 $0x1082;
	s9 =	sld [smem:$0x3FAF]  }
0x2f: {  	lr =	sadd.s32 s0, s3;
	s0 =	sld [smem:$0x3FA6]  }
0x30: {  	s3 =	sld [smem:$0x3FA9]  }
0x31: {  	[smem:$0x3FB2] =	sst s10  }
0x32: {  	s10 =	sld [smem:$0x3FB0];
	_ =	sdelay $0x3  }
0x33: {  	p0 =	seq.s32 s10, $0x1;
	s10 =	sld [smem:$0x3FB2];
	_ =	sdelay $0x3  }
0x34: {  	[smem:$0x3FB2] =	sst s10  }
0x35: {  	s10 =	sld [smem:$0x3FB1];
	_ =	sdelay $0x3  }
0x36: {  	p1 =	seq.s32 s10, $0x1;
	s10 =	sld [smem:$0x3FB2];
	_ =	sdelay $0x3  }
0x37: {  	[smem:$0x3FB2] =	sst s10  }
0x38: {  	s10 =	sld [smem:$0x3FB3]  }
0x39: {  	_ = 	snop;
	(pc) =	sbr.ind lr, $3  }
0x3a: {  	_ = 	snop  }
0x3b: {  	_ = 	snop  }
0x3c: {  	p2 =	seq.s32 s10, $0x1;
	s10 =	sld [smem:$0x3FB2]  }
0x3d: {  	_ =	shalt  }
0x3e: {  	_ =	shalt  }
0x3f: {  	_ =	shalt  }
0x40: {  	_ =	shalt  }
0x41: {  	_ =	shalt  }
0x42: {  	_ =	shalt  }
0x43: {  	_ =	shalt  }
0x44: {  	_ =	shalt  }
0x45: {  	_ =	shalt  }
0x46: {  	_ =	shalt  }
0x47: {  	_ =	shalt  }
0x48: {  	_ =	shalt  }
0x49: {  	_ =	shalt  }
0x4a: {  	_ =	shalt  }
0x4b: {  	_ =	shalt  }
0x4c: {  	_ =	shalt  }
0x4d: {  	_ =	shalt  }
0x4e: {  	_ =	shalt  }
0x4f: {  	_ =	shalt  }
0x50: {  	_ =	shalt  }
0x51: {  	_ =	shalt  }
0x52: {  	_ =	shalt  }
0x53: {  	_ =	shalt  }
0x54: {  	_ =	shalt  }
0x55: {  	_ =	shalt  }
0x56: {  	_ =	shalt  }
0x57: {  	_ =	shalt  }
0x58: {  	_ =	shalt  }
0x59: {  	_ =	shalt  }
0x5a: {  	_ =	shalt  }
0x5b: {  	_ =	shalt  }
0x5c: {  	_ =	shalt  }
0x5d: {  	_ =	shalt  }
0x5e: {  	_ =	shalt  }
0x5f: {  	_ =	shalt  }
0x60: {  	_ =	shalt  }
0x61: {  	_ =	shalt  }
0x62: {  	_ =	shalt  }
0x63: {  	_ =	shalt  }
0x64: {  	_ =	shalt  }
0x65: {  	_ =	shalt  }
0x66: {  	_ =	shalt  }
0x67: {  	_ =	shalt  }
0x68: {  	_ =	shalt  }
0x69: {  	_ =	shalt  }
0x6a: {  	_ =	shalt  }
0x6b: {  	_ =	shalt  }
0x6c: {  	_ =	shalt  }
0x6d: {  	_ =	shalt  }
0x6e: {  	_ =	shalt  }
0x6f: {  	_ =	shalt  }
0x70: {  	_ =	shalt  }
0x71: {  	_ =	shalt  }
0x72: {  	_ =	shalt  }
0x73: {  	_ =	shalt  }
0x74: {  	_ =	shalt  }
0x75: {  	_ =	shalt  }
0x76: {  	_ =	shalt  }
0x77: {  	_ =	shalt  }
0x78: {  	_ =	shalt  }
0x79: {  	_ =	shalt  }
0x7a: {  	_ =	shalt  }
0x7b: {  	_ =	shalt  }
0x7c: {  	_ =	shalt  }
0x7d: {  	_ =	shalt  }
0x7e: {  	_ =	shalt  }
0x7f: {  	_ =	shalt  }
0x80: {  	_ =	shalt  }
0x81: {  	_ =	shalt  }
0x82: {  	_ =	shalt  }
0x83: {  	_ =	shalt  }
0x84: {  	_ =	shalt  }
0x85: {  	_ =	shalt  }
0x86: {  	_ =	shalt  }
0x87: {  	_ =	shalt  }
.Lfunc_end0:
.L_simem_size_0:
called_computation_lowered:
.L_overlay_start_0:
0x88: {  	s2 =	sld [smem:$0x3FD9]  }
0x89: {  	s3 =	sld [smem:$0x3FFE];
	_ =	sdelay $0x1  }
0x8a: {  	s1 =	srdreg.scid  }
0x8b: {  	s0 =	sand.u32 $0x1, s1  }
0x8c: {  	s17 =	sshll.u32 s0, $0xA;
	s2 =	sadd.s32 s3, s2  }
0x8d: {  	s2 =	sadd.s32 s2, s17  }
0x8e: {  	[smem:$0x3FBE] =	sst s2  }
0x8f: {  	_ = 	snop  }
0x90: {  	s2 =	sld [smem:$0x3FD0];
	(tm) =	ssettm $0x1  }
0x91: {  	s18 =	sld [smem:$0x3FFB];
	_ =	sdelay $0x3  }
0x92: {  	_ =	strace s18  }
0x93: {  	s3 =	sld [smem:$0x3FFC];
	_ =	sdelay $0x3  }
0x94: {  	_ =	strace s3  }
0x95: {  	s3 =	sld [smem:$0x3FFD];
	_ =	sdelay $0x3  }
0x96: {  	_ =	strace s3  }
0x97: {  	_ =	strace $0x8FFFFFFF  }
0x98: {  	s19 =	sld [smem:$0x3FDB];
	_ =	sdelay $0x1  }
0x99: {  	s4 =	simm.s32 $_scs_section_size  }
0x9a: {  	s5 =	simm.s32 $_size__tile_overlayer_lowered;
	s6 =	simm.s32 $_tile_overlayer_lowered  }
0x9b: {  	s22 =	simm.s32 $0x1BFF;
	s21 =	sshll.u32 s6, $0x1;
	s3 =	sadd.s32 s4, s19  }
0x9c: {  	s7 =	simm.s32 $0x0;
	s20 =	sshll.u32 s5, $0x1;
	s5 =	sadd.s32 s21, s3  }
0x9d: {  	[timem:s7], [sflag:s22] =	dma.local [hbm:s5], s20  }
0x9e: {  	_ =	swait.ge [sflag:s22], s20  }
0x9f: {  	s4 =	ssub.s32 $0x0, s20;
	[sflag:s22] =	ssyncset.done $0x0  }
0xa0: {  	[sflag:s22] =	ssyncadd.s32 s4;
	_ =	sdelay $0x1  }
0xa1: {  	s23 =	simm.s32 $0x1B8B  }
0xa2: {  	_ =	swait.ge [sflag:s23], $0x1  }
0xa3: {  	[sflag:s23] =	ssyncset.done $0x0  }
0xa4: {  	s25 =	simm.s32 $0x1B8E;
	s24 =	sld [smem:$0x3FFE];
	[sflag:s23] =	ssyncadd.s32 $0xFFFFFFFF  }
0xa5: {  	s26 =	simm.s32 $execute0_lowered;
	[smem:$0x3FD2] =	sst s25  }
0xa6: {  	s5 =	sshll.u32 s26, $0x1;
	_ =	strace $0x80000046;
	[dreg:$0x1] =	wrdreg $0xFFFFFFFF  }
0xa7: {  	s28 =	simm.s32 $_size_execute0_lowered;
	s3 =	sadd.s32 s3, s5;
	[dreg:$0x0] =	wrdreg $0x0  }
0xa8: {  	s5 =	sshll.u32 s28, $0x1;
	[dreg:$0x2] =	wrdreg s3  }
0xa9: {  	[dreg:$0x3] =	wrdreg s5  }
0xaa: {  	[dreg:$0x4] =	wrdreg $0xC0  }
0xab: {  	_ =	task [dreg:s7], $0x5FFFF  }
0xac: {  	[dreg:$0x1] =	wrdreg $0xFFFFFFFF  }
0xad: {  	[dreg:$0x0] =	wrdreg $0x60  }
0xae: {  	[dreg:$0x2] =	wrdreg s24  }
0xaf: {  	[dreg:$0x3] =	wrdreg s2  }
0xb0: {  	[dreg:$0x4] =	wrdreg $0x0  }
0xb1: {  	[dreg:$0x5] =	wrdreg $0x9  }
0xb2: {  	_ =	task.clear_ibuf [dreg:s7], $0x6FFFF;
	_ =	strace $0x90000046  }
0xb3: {  	s29 =	simm.s32 $0x9;
	_ =	strace $0x80000048  }
0xb4: {  	_ =	swait.ge [sflag:s29], $0x1  }
0xb5: {  	[sflag:s29] =	ssyncadd.s32 $0xFFFFFFFF  }
0xb6: {  	_ =	strace $0x90000048  }
0xb7: {  	_ =	sfence  }
0xb8: {  	s30 =	sld [smem:$0x0];
	_ =	sdelay $0x2  }
0xb9: {  	s31 =	sshll.u32 s1, $0xD;
	s1 =	sshrl.u32 s1, $0x2  }
0xba: {  	s3 =	sand.u32 $0x4000, s31;
	s1 =	sadd.s32 s1, s30  }
0xbb: {  	s0 =	sor.u32 s3, s0;
	s1 =	sshll.u32 s1, $0x11  }
0xbc: {  	s0 =	sor.u32 s1, s0  }
0xbd: {  	s0 =	sadd.s32 $0x8F2B, s0  }
0xbe: {  	[sflag:s0] =	ssyncadd.remote.s32 $0x1  }
0xbf: {  	_ =	sfence.sel $0xFFFF  }
0xc0: {  	[dreg:$0x0] =	wrdreg $0xFFFFFFFF;
	(pc) =	sbr.abs _section_cstart, $3  }
0xc1: {  	[dreg:$0x1] =	wrdreg $0xFFFFFFFF  }
0xc2: {  	_ =	task.clear_ibuf [dreg:s7], $0x2FFFF;
	_ =	strace $0x9FFFFFFF  }
0xc3: {  	(tm) =	ssettm $0x7FFFFFFF  }
tec
execute0_lowered:
.L_overlay_start_1:
0x0: {  	(tag) =	ssettag $0x1  }
0x1: {  	s5 =	rddreg [dreg:$0x0]  }
0x2: {  	s2 =	rddreg [dreg:$0x1]  }
0x3: {  	s0 =	srdreg.scid;
	s3 =	rddreg [dreg:$0x2]  }
0x4: {  	s4 =	simm.s32 $0x0;
	s13 =	simm.s32 $0x1390;
	s14 =	simm.s32 $0x80  }
0x5: {  	s15 =	simm.s32 $0x0;
	s6 =	sand.u32 $0x1, s0;
	s0 =	stileid.u32  }
0x6: {  	[smem:$0x7FF] =	sst s4;
	s1 =	sshll.u32 s6, $0x4;
	s8 =	smul.u32 $0x278, s0  }
0x7: {  	s9 =	ssub.s32 $0x2, s6;
	s11 =	smul.u32 $0x2710, s6;
	s7 =	sor.u32 s0, s1  }
0x8: {  	s1 =	rddreg [dreg:$0x3];
	_ =	strace $0x80000047;
	s10 =	sshrl.u32 s9, $0x1  }
0x9: {  	s7 =	smul.u32 $0x4F0, s7;
	s8 =	smin.u32 s8, $0x2498;
	s9 =	ssub.s32 s9, s10  }
0xa: {  	s10 =	simm.s32 $0x3F10;
	s12 =	sadd.s32 s8, s5;
	s30 =	sshll.u32 s8, $0x3  }
0xb: {  	s9 =	smax.u32 s9, $0x1;
	s7 =	sadd.s32 s7, s5;
	s5 =	sadd.s32 $0xC000, s12  }
0xc: {  	s6 =	sadd.s32 s30, s3;
	s31 =	sadd.s32 s11, s12;
	s11 =	simm.s32 $0x1  }
0xd: {  	s12 =	simm.s32 $0x3B10;
	s7 =	sadd.s32 $0x2200, s7;
	s8 =	sadd.s32 $0xE800, s31  }
.LBB2_1:
0xe: {  	[tilespmem:s10], [sflag:$0x1] =	stream.linear.gather [hbm4b:s5+s4], $0x13C0, $0x38;
	[tilespmem:$0x52D0] =	vst v63  }
0xf: {  	_ =	swait.ge [sflag:s11], $0x13C0  }
0x10: {  	[sflag:s11] =	ssyncset.done $0x0  }
0x11: {  	[sflag:s11] =	ssyncadd.s32 $0xFFFFEC40  }
0x12: {  	[spmem:s6] =	stream.linear.scatter [tilespmem:s10], [sflag:$0x1], $0x13C0, $0x38;
	[tilespmem:$0x52D0] =	vst v63  }
0x13: {  	_ =	swait.ge [sflag:s11], $0x13C0  }
0x14: {  	[sflag:s11] =	ssyncset.done $0x0  }
0x15: {  	[sflag:s11] =	ssyncadd.s32 $0xFFFFEC40  }
0x16: {  	[tilespmem:s12], [sflag:$0x1] =	stream.linear.gather [hbm4b:s2+s4], $0x400, $0x38;
	[tilespmem:$0x52D0] =	vst v63  }
0x17: {  	_ =	swait.ge [sflag:s11], $0x400  }
0x18: {  	[sflag:s11] =	ssyncset.done $0x0  }
0x19: {  	[sflag:s11] =	ssyncadd.s32 $0xFFFFFC00  }
0x1a: {  	[tilespmem:s13], [sflag:$0x1] =	stream.linear.gather [hbm4b:s7+s4], $0x2780, $0x38;
	[tilespmem:$0x52D0] =	vst v63  }
0x1b: {  	_ =	swait.ge [sflag:s11], $0x2780  }
0x1c: {  	[sflag:s11] =	ssyncset.done $0x0  }
0x1d: {  	[sflag:s11] =	ssyncadd.s32 $0xFFFFD880  }
0x1e: {  	s16 =	simm.s32 $0x1390;
	[bflag:$0x0] =	sbarrier.arrive $0xFFFF  }
0x1f: {  	[spmem:s3] =	stream.indirect.scatter.add.f32 [tilespmem:s12], [sflag:$0x1], $0x8, s16, s14, $0xb8;
	[tilespmem:$0x52D0] =	vst v63  }
0x20: {  	s16 =	simm.s32 $0x200;
	_ =	swait.ge [sflag:s11], $0x400  }
.LBB2_2:
0x21: {  	s17 =	sshra.s32 s16, $0x2;
	[sflag:s11] =	ssyncset.done $0x0;
	p0 =	sne.s32 s16, $0x9C00  }
.Ltmp0:
0x22: {  	s17 =	sadd.s32 $0x1390, s17;
	[sflag:s11] =	ssyncadd.s32 $0xFFFFFC00;
	(pc) =	sbr.rel @p0 .LBB2_2-.Ltmp0, $3  }
0x23: {  	[spmem:s3] =	stream.indirect.scatter.add.f32 [tilespmem:s12], [sflag:$0x1], $0x8, s17, s14, $0xb8;
	[tilespmem:$0x52D0] =	vst v63  }
0x24: {  	s16 =	sadd.s32 $0x200, s16;
	_ =	sdelay $0x1  }
0x25: {  	_ =	swait.ge [sflag:s11], $0x400  }
0x26: {  	[sflag:s11] =	ssyncset.done $0x0  }
0x27: {  	[sflag:s11] =	ssyncadd.s32 $0xFFFFFC00  }
0x28: {  	[bflag:$0x0] =	sbarrier.arrive $0xFFFF  }
0x29: {  	[tilespmem:s10], [sflag:$0x1] =	stream.linear.gather [spmem:s6], $0x13C0, $0x38;
	[tilespmem:$0x52D0] =	vst v63  }
0x2a: {  	s15 =	sadd.s32 $0x1, s15;
	_ =	swait.ge [sflag:s11], $0x13C0  }
0x2b: {  	p0 =	sne.s32 s15, s9;
	[sflag:s11] =	ssyncset.done $0x0  }
.Ltmp1:
0x2c: {  	[sflag:s11] =	ssyncadd.s32 $0xFFFFEC40;
	(pc) =	sbr.rel @p0 .LBB2_1-.Ltmp1, $4  }
0x2d: {  	[hbm4b:s8+s4] =	stream.linear.scatter [tilespmem:s10], [sflag:$0x1], $0x13C0, $0x38;
	[tilespmem:$0x52D0] =	vst v63  }
0x2e: {  	_ =	swait.ge [sflag:s11], $0x13C0  }
0x2f: {  	[sflag:s11] =	ssyncset.done $0x0  }
0x30: {  	[sflag:s11] =	ssyncadd.s32 $0xFFFFEC40  }
0x31: {  	_ =	sfence.sel $0x180000  }
0x32: {  	[bflag:$0x0] =	sbarrier.arrive $0xFFFF  }
0x33: {  	p0 =	sne.s32 s0, $0x0;
	_ =	strace $0x90000047  }
0x34: {  	s0 =	sadd.s32 @!p0 $0x100000, s1;
	[bflag:$0x2] =	sbarrier.arrive $0xFFFF  }
0x35: {  	[sflag:s0] =	ssyncadd.tile.s32 @!p0 $0x1;
	_ =	shalt  }
.Lfunc_end2:
_tile_overlayer_lowered:
.L_overlay_start_2:
0x36: {  	(tag) =	ssettag $0x2  }
0x37: {  	s0 =	rddreg [dreg:$0x0];
	s2 =	stileid.u32  }
0x38: {  	s1 =	rddreg [dreg:$0x1];
	p0 =	sne.s32 s2, $0x0  }
0x39: {  	s3 =	rddreg [dreg:$0x2];
	[bflag:$0x3] =	sbarrier.arrive $0xFFFF;
	s2 =	simm.s32 @!p0 $0x1C01  }
0x3a: {  	[timem:s3], [sflag:s2] =	dma.local @!p0 [hbm:s0], s1  }
0x3b: {  	s0 =	simm.s32 @!p0 $0x1  }
0x3c: {  	_ =	swait.ge @!p0 [sflag:s0], s1  }
0x3d: {  	s1 =	ssub.s32 @!p0 $0x0, s1;
	[sflag:s0] =	ssyncset.done @!p0 $0x0  }
0x3e: {  	[sflag:s0] =	ssyncadd.s32 @!p0 s1  }
0x3f: {  	[bflag:$0x3] =	sbarrier.arrive $0xFFFF  }
0x40: {  	_ =	shalt  }

// kernel: kernel.13.cloned.1.call-start
scs
__scs_entry_jumppad:
0x0: {  	(pc) =	sbr.rel $0x88, $3  }
0x1: {  	(tag) =	ssettag $0x0;
	lr =	simm.s32 $0x1  }
0x2: {  	[smem:$0x3F97] =	sst lr;
	_ =	strace $0xD0000000  }
0x3: {  	_ = 	snop  }
0x4: {  	_ = 	snop  }
0x5: {  	_ = 	snop  }
0x6: {  	_ = 	snop  }
0x7: {  	_ = 	snop  }
__scs_overlays_trampoline_lowered:
0x8: {  	[smem:$0x3FA6] =	sst s0  }
0x9: {  	[smem:$0x3FA7] =	sst s1  }
0xa: {  	[smem:$0x3FA8] =	sst s2  }
0xb: {  	[smem:$0x3FA9] =	sst s3  }
0xc: {  	[smem:$0x3FAA] =	sst s4  }
0xd: {  	[smem:$0x3FAB] =	sst s5  }
0xe: {  	[smem:$0x3FAC] =	sst s6  }
0xf: {  	[smem:$0x3FAD] =	sst s7  }
0x10: {  	[smem:$0x3FAE] =	sst s8  }
0x11: {  	[smem:$0x3FAF] =	sst s9;
	s0 =	simm.s32 @!p0 $0x0  }
0x12: {  	s1 =	sld [smem:$0x3F95];
	s0 =	simm.s32 @p0 $0x1  }
0x13: {  	[smem:$0x3FB0] =	sst s0;
	s0 =	simm.s32 @!p1 $0x0  }
0x14: {  	s2 =	sld [smem:$0x3F94];
	s0 =	simm.s32 @p1 $0x1  }
0x15: {  	[smem:$0x3FB1] =	sst s0;
	s0 =	simm.s32 @!p2 $0x0  }
0x16: {  	s3 =	sld [smem:$0x3FDB];
	s0 =	simm.s32 @p2 $0x1  }
0x17: {  	s4 =	simm.s32 $0x1BF5;
	[smem:$0x3FB3] =	sst s0  }
0x18: {  	s0 =	sld [smem:$0x3F96];
	_ =	swait.ge [sflag:s4], $0x0  }
0x19: {  	s7 =	sld [smem:$0x3F97]  }
0x1a: {  	s8 =	sadd.s32 $0xFFFFE003, lr  }
0x1b: {  	s9 =	sadd.s32 $0xFFFFFEF7, lr;
	s5 =	simm.s32 $0xFFFFFFFF;
	p2 =	slt.u32 s8, $0xFFFFF086  }
0x1c: {  	p1 =	slt.u32 s9, $0xF7A;
	s5 =	simm.s32 @!p2 $0x0  }
0x1d: {  	s5 =	simm.s32 @p1 $0x1;
	p0 =	seq.s32 s7, s2  }
0x1e: {  	s7 =	smul.u32 @!p0 $0xF7A, s2;
	p2 =	seq.s32 @!p0 s5, $0x0  }
0x1f: {  	s9 =	smul.u32 $0xF7A, s1;
	s8 =	simm.s32 @!p0 $0x1BF5;
	p2 =	por !p2, p0  }
0x20: {  	[sflag:s8] =	ssyncset.s32 @!p0 $0xFFFFF086;
	s6 =	sadd.s32 @!p0 s3, s7;
	s7 =	simm.s32 @!p0 $0x108  }
0x21: {  	s3 =	sadd.s32 s3, s9;
	s6 =	sadd.s32 @!p0 $0x88, s6;
	s7 =	simm.s32 @p2 $0x1082  }
0x22: {  	[simem:s7], [sflag:s8] =	dma.local @!p0 [hbm:s6], $0xF7A  }
0x23: {  	s9 =	sor.u32 $0xD0000000, s2;
	s6 =	simm.s32 $0x108;
	_ =	swait.ge @!p0 [sflag:s8], $0x0  }
0x24: {  	s3 =	sadd.s32 $0x88, s3;
	s6 =	simm.s32 @!p1 $0x1082;
	[sflag:s4] =	ssyncset.s32 $0xFFFFF086  }
0x25: {  	[simem:s6], [sflag:s4] =	dma.local [hbm:s3], $0xF7A  }
0x26: {  	[smem:$0x3F97] =	sst s1;
	(tag) =	ssettag s2;
	_ =	strace s9  }
0x27: {  	s1 =	sld [smem:$0x3FA7]  }
0x28: {  	s2 =	sld [smem:$0x3FA8]  }
0x29: {  	s4 =	sld [smem:$0x3FAA]  }
0x2a: {  	p0 =	seq.s32 s5, $0x0;
	s5 =	sld [smem:$0x3FAB]  }
0x2b: {  	s6 =	sld [smem:$0x3FAC]  }
0x2c: {  	s7 =	sld [smem:$0x3FAD]  }
0x2d: {  	s3 =	simm.s32 $0x108;
	s8 =	sld [smem:$0x3FAE]  }
0x2e: {  	s3 =	simm.s32 @!p0 $0x1082;
	s9 =	sld [smem:$0x3FAF]  }
0x2f: {  	lr =	sadd.s32 s0, s3;
	s0 =	sld [smem:$0x3FA6]  }
0x30: {  	s3 =	sld [smem:$0x3FA9]  }
0x31: {  	[smem:$0x3FB2] =	sst s10  }
0x32: {  	s10 =	sld [smem:$0x3FB0];
	_ =	sdelay $0x3  }
0x33: {  	p0 =	seq.s32 s10, $0x1;
	s10 =	sld [smem:$0x3FB2];
	_ =	sdelay $0x3  }
0x34: {  	[smem:$0x3FB2] =	sst s10  }
0x35: {  	s10 =	sld [smem:$0x3FB1];
	_ =	sdelay $0x3  }
0x36: {  	p1 =	seq.s32 s10, $0x1;
	s10 =	sld [smem:$0x3FB2];
	_ =	sdelay $0x3  }
0x37: {  	[smem:$0x3FB2] =	sst s10  }
0x38: {  	s10 =	sld [smem:$0x3FB3]  }
0x39: {  	_ = 	snop;
	(pc) =	sbr.ind lr, $3  }
0x3a: {  	_ = 	snop  }
0x3b: {  	_ = 	snop  }
0x3c: {  	p2 =	seq.s32 s10, $0x1;
	s10 =	sld [smem:$0x3FB2]  }
0x3d: {  	_ =	shalt  }
0x3e: {  	_ =	shalt  }
0x3f: {  	_ =	shalt  }
0x40: {  	_ =	shalt  }
0x41: {  	_ =	shalt  }
0x42: {  	_ =	shalt  }
0x43: {  	_ =	shalt  }
0x44: {  	_ =	shalt  }
0x45: {  	_ =	shalt  }
0x46: {  	_ =	shalt  }
0x47: {  	_ =	shalt  }
0x48: {  	_ =	shalt  }
0x49: {  	_ =	shalt  }
0x4a: {  	_ =	shalt  }
0x4b: {  	_ =	shalt  }
0x4c: {  	_ =	shalt  }
0x4d: {  	_ =	shalt  }
0x4e: {  	_ =	shalt  }
0x4f: {  	_ =	shalt  }
0x50: {  	_ =	shalt  }
0x51: {  	_ =	shalt  }
0x52: {  	_ =	shalt  }
0x53: {  	_ =	shalt  }
0x54: {  	_ =	shalt  }
0x55: {  	_ =	shalt  }
0x56: {  	_ =	shalt  }
0x57: {  	_ =	shalt  }
0x58: {  	_ =	shalt  }
0x59: {  	_ =	shalt  }
0x5a: {  	_ =	shalt  }
0x5b: {  	_ =	shalt  }
0x5c: {  	_ =	shalt  }
0x5d: {  	_ =	shalt  }
0x5e: {  	_ =	shalt  }
0x5f: {  	_ =	shalt  }
0x60: {  	_ =	shalt  }
0x61: {  	_ =	shalt  }
0x62: {  	_ =	shalt  }
0x63: {  	_ =	shalt  }
0x64: {  	_ =	shalt  }
0x65: {  	_ =	shalt  }
0x66: {  	_ =	shalt  }
0x67: {  	_ =	shalt  }
0x68: {  	_ =	shalt  }
0x69: {  	_ =	shalt  }
0x6a: {  	_ =	shalt  }
0x6b: {  	_ =	shalt  }
0x6c: {  	_ =	shalt  }
0x6d: {  	_ =	shalt  }
0x6e: {  	_ =	shalt  }
0x6f: {  	_ =	shalt  }
0x70: {  	_ =	shalt  }
0x71: {  	_ =	shalt  }
0x72: {  	_ =	shalt  }
0x73: {  	_ =	shalt  }
0x74: {  	_ =	shalt  }
0x75: {  	_ =	shalt  }
0x76: {  	_ =	shalt  }
0x77: {  	_ =	shalt  }
0x78: {  	_ =	shalt  }
0x79: {  	_ =	shalt  }
0x7a: {  	_ =	shalt  }
0x7b: {  	_ =	shalt  }
0x7c: {  	_ =	shalt  }
0x7d: {  	_ =	shalt  }
0x7e: {  	_ =	shalt  }
0x7f: {  	_ =	shalt  }
0x80: {  	_ =	shalt  }
0x81: {  	_ =	shalt  }
0x82: {  	_ =	shalt  }
0x83: {  	_ =	shalt  }
0x84: {  	_ =	shalt  }
0x85: {  	_ =	shalt  }
0x86: {  	_ =	shalt  }
0x87: {  	_ =	shalt  }
.Lfunc_end0:
.L_simem_size_0:
called_computation.1_lowered:
.L_overlay_start_0:
0x88: {  	s2 =	sld [smem:$0x3FD9]  }
0x89: {  	s3 =	sld [smem:$0x3FFE];
	_ =	sdelay $0x1  }
0x8a: {  	s1 =	srdreg.scid  }
0x8b: {  	s0 =	sand.u32 $0x1, s1  }
0x8c: {  	s16 =	sshll.u32 s0, $0xA;
	s2 =	sadd.s32 s3, s2  }
0x8d: {  	s2 =	sadd.s32 s2, s16  }
0x8e: {  	[smem:$0x3FBE] =	sst s2  }
0x8f: {  	_ = 	snop  }
0x90: {  	(tm) =	ssettm $0x1  }
0x91: {  	s17 =	sld [smem:$0x3FFB];
	_ =	sdelay $0x3  }
0x92: {  	_ =	strace s17  }
0x93: {  	s2 =	sld [smem:$0x3FFC];
	_ =	sdelay $0x3  }
0x94: {  	_ =	strace s2  }
0x95: {  	s2 =	sld [smem:$0x3FFD];
	_ =	sdelay $0x3  }
0x96: {  	_ =	strace s2  }
0x97: {  	_ =	strace $0x8FFFFFFF  }
0x98: {  	s18 =	sld [smem:$0x3FDB];
	_ =	sdelay $0x1  }
0x99: {  	s19 =	simm.s32 $_scs_section_size  }
0x9a: {  	s4 =	simm.s32 $_size__tile_overlayer_lowered;
	s5 =	simm.s32 $_tile_overlayer_lowered  }
0x9b: {  	s22 =	simm.s32 $0x1BFF;
	s21 =	sshll.u32 s5, $0x1;
	s2 =	sadd.s32 s19, s18  }
0x9c: {  	s6 =	simm.s32 $0x0;
	s20 =	sshll.u32 s4, $0x1;
	s4 =	sadd.s32 s21, s2  }
0x9d: {  	[timem:s6], [sflag:s22] =	dma.local [hbm:s4], s20  }
0x9e: {  	_ =	swait.ge [sflag:s22], s20  }
0x9f: {  	s3 =	ssub.s32 $0x0, s20;
	[sflag:s22] =	ssyncset.done $0x0  }
0xa0: {  	[sflag:s22] =	ssyncadd.s32 s3;
	_ =	sdelay $0x1  }
0xa1: {  	s23 =	simm.s32 $0x1B8B  }
0xa2: {  	_ =	swait.ge [sflag:s23], $0x1  }
0xa3: {  	[sflag:s23] =	ssyncset.done $0x0  }
0xa4: {  	s25 =	simm.s32 $0x1B8E;
	s24 =	sld [smem:$0x3FFE];
	[sflag:s23] =	ssyncadd.s32 $0xFFFFFFFF  }
0xa5: {  	s26 =	simm.s32 $execute0_lowered;
	[smem:$0x3FD2] =	sst s25  }
0xa6: {  	s4 =	sshll.u32 s26, $0x1;
	_ =	strace $0x80000049;
	[dreg:$0x1] =	wrdreg $0xFFFFFFFF  }
0xa7: {  	s28 =	simm.s32 $_size_execute0_lowered;
	s2 =	sadd.s32 s2, s4;
	[dreg:$0x0] =	wrdreg $0x0  }
0xa8: {  	s4 =	sshll.u32 s28, $0x1;
	[dreg:$0x2] =	wrdreg s2  }
0xa9: {  	[dreg:$0x3] =	wrdreg s4  }
0xaa: {  	[dreg:$0x4] =	wrdreg $0xC0  }
0xab: {  	_ =	task [dreg:s6], $0x5FFFF  }
0xac: {  	[dreg:$0x1] =	wrdreg $0xFFFFFFFF  }
0xad: {  	[dreg:$0x0] =	wrdreg $0x60  }
0xae: {  	[dreg:$0x2] =	wrdreg s24  }
0xaf: {  	[dreg:$0x3] =	wrdreg $0x0  }
0xb0: {  	[dreg:$0x4] =	wrdreg $0x9  }
0xb1: {  	_ =	task.clear_ibuf [dreg:s6], $0x5FFFF;
	_ =	strace $0x90000049  }
0xb2: {  	s29 =	simm.s32 $0x9;
	_ =	strace $0x8000004B  }
0xb3: {  	_ =	swait.ge [sflag:s29], $0x1  }
0xb4: {  	[sflag:s29] =	ssyncadd.s32 $0xFFFFFFFF  }
0xb5: {  	_ =	strace $0x9000004B  }
0xb6: {  	_ =	sfence  }
0xb7: {  	s30 =	sld [smem:$0x0];
	_ =	sdelay $0x2  }
0xb8: {  	s31 =	sshll.u32 s1, $0xD;
	s1 =	sshrl.u32 s1, $0x2  }
0xb9: {  	s3 =	sand.u32 $0x4000, s31;
	s1 =	sadd.s32 s1, s30  }
0xba: {  	s0 =	sor.u32 s3, s0;
	s1 =	sshll.u32 s1, $0x11  }
0xbb: {  	s0 =	sor.u32 s1, s0  }
0xbc: {  	s0 =	sadd.s32 $0x8F2B, s0  }
0xbd: {  	[sflag:s0] =	ssyncadd.remote.s32 $0x1  }
0xbe: {  	_ =	sfence.sel $0xFFFF  }
0xbf: {  	[dreg:$0x0] =	wrdreg $0xFFFFFFFF;
	(pc) =	sbr.abs _section_cstart, $3  }
0xc0: {  	[dreg:$0x1] =	wrdreg $0xFFFFFFFF  }
0xc1: {  	_ =	task.clear_ibuf [dreg:s6], $0x2FFFF;
	_ =	strace $0x9FFFFFFF  }
0xc2: {  	(tm) =	ssettm $0x7FFFFFFF  }
0xc3: {  	_ =	shalt  }
tec
execute0_lowered:
.L_overlay_start_1:
0x0: {  	(tag) =	ssettag $0x1  }
0x1: {  	s0 =	srdreg.scid;
	s6 =	rddreg [dreg:$0x0]  }
0x2: {  	s2 =	rddreg [dreg:$0x1];
	s3 =	simm.s32 $0x0;
	s13 =	simm.s32 $0x1390  }
0x3: {  	s14 =	simm.s32 $0x80;
	s15 =	simm.s32 $0x6290;
	s16 =	simm.s32 $0x1  }
0x4: {  	s17 =	simm.s32 $0x6210;
	s18 =	simm.s32 $0x4;
	s19 =	simm.s32 $0x0  }
0x5: {  	s5 =	sand.u32 $0x1, s0;
	s0 =	stileid.u32;
	[smem:$0x7FF] =	sst s3  }
0x6: {  	s1 =	sshll.u32 s5, $0x4;
	s8 =	smul.u32 $0x278, s0;
	s29 =	ssub.s32 $0x2, s5  }
0x7: {  	s11 =	smul.u32 $0x2710, s5;
	s4 =	sor.u32 s0, s1;
	s1 =	rddreg [dreg:$0x2]  }
0x8: {  	_ =	strace $0x8000004A;
	s30 =	sshrl.u32 s29, $0x1;
	s7 =	smul.u32 $0x4F0, s4  }
0x9: {  	s4 =	sadd.s32 $0xE800, s6;
	s28 =	smin.u32 s8, $0x2498;
	s12 =	ssub.s32 s29, s30  }
0xa: {  	s10 =	sadd.s32 s28, s6;
	s31 =	sshll.u32 s28, $0x3;
	s9 =	sadd.s32 s7, s6  }
0xb: {  	s5 =	sadd.s32 $0xC000, s10;
	s6 =	sadd.s32 s31, s2;
	s10 =	sadd.s32 s11, s10  }
0xc: {  	s11 =	simm.s32 $0x6A90;
	s7 =	sadd.s32 $0x13800, s9;
	s8 =	sadd.s32 $0x2200, s9  }
0xd: {  	s9 =	sadd.s32 $0x1D600, s10;
	s10 =	smax.u32 s12, $0x1;
	s12 =	simm.s32 $0x3  }
.LBB2_1:
0xe: {  	[tilespmem:s11], [sflag:$0x3] =	stream.linear.gather [hbm4b:s5+s3], $0x13C0, $0x38;
	[tilespmem:$0x7E50] =	vst v63  }
0xf: {  	_ =	swait.ge [sflag:s12], $0x13C0  }
0x10: {  	[sflag:s12] =	ssyncset.done $0x0  }
0x11: {  	[sflag:s12] =	ssyncadd.s32 $0xFFFFEC40  }
0x12: {  	[spmem:s6] =	stream.linear.scatter [tilespmem:s11], [sflag:$0x3], $0x13C0, $0x38;
	[tilespmem:$0x7E50] =	vst v63  }
0x13: {  	_ =	swait.ge [sflag:s12], $0x13C0  }
0x14: {  	[sflag:s12] =	ssyncset.done $0x0  }
0x15: {  	[sflag:s12] =	ssyncadd.s32 $0xFFFFEC40  }
0x16: {  	[tilespmem:s13], [sflag:$0x3] =	stream.linear.gather [hbm4b:s7+s3], $0x2780, $0x38;
	[tilespmem:$0x7E50] =	vst v63  }
0x17: {  	_ =	swait.ge [sflag:s12], $0x2780  }
0x18: {  	[sflag:s12] =	ssyncset.done $0x0  }
0x19: {  	s20 =	simm.s32 $0x3B10;
	[sflag:s12] =	ssyncadd.s32 $0xFFFFD880  }
0x1a: {  	[tilespmem:s20], [sflag:$0x3] =	stream.linear.gather [hbm4b:s8+s3], $0x2780, $0x38;
	[tilespmem:$0x7E50] =	vst v63  }
0x1b: {  	_ =	swait.ge [sflag:s12], $0x2780  }
0x1c: {  	s21 =	sand.u32 $0x1, s3;
	[sflag:s12] =	ssyncset.done $0x0  }
0x1d: {  	p0 =	seq.s32 s21, $0x1;
	[sflag:s12] =	ssyncadd.s32 $0xFFFFD880  }
0x1e: {  	s21 =	simm.s32 @p0 $0x2;
	[bflag:$0x0] =	sbarrier.arrive $0xFFFF  }
0x1f: {  	[tilespmem:s15], [sflag:$0x1] =	stream.indirect.gather [hbm4b:s4+s14], $0x8, s13, s14, $0xb8;
	[tilespmem:$0x7E50] =	vst v63  }
0x20: {  	_ =	swait.ge @p0 [sflag:s21], $0x400  }
0x21: {  	s23 =	simm.s32 $0x1410;
	[sflag:s21] =	ssyncset.done @p0 $0x0  }
0x22: {  	s22 =	simm.s32 @p0 $0x6290;
	[sflag:s21] =	ssyncadd.s32 @p0 $0xFFFFFC00;
	s21 =	simm.s32 @p0 $0x80  }
0x23: {  	[tilespmem:s22], [sflag:$0x1] =	stream.indirect.gather @p0 [hbm4b:s4+s21], $0x8, s23, s21, $0xb8;
	[tilespmem:$0x7E50] =	vst v63  }
0x24: {  	s24 =	simm.s32 @!p0 $0x1;
	s22 =	simm.s32 @p0 $0x6690  }
0x25: {  	[spmem:s2] =	stream.indirect.scatter.add.f32 @p0 [tilespmem:s22], [sflag:$0x3], $0x8, s20, s21, $0xb8;
	[tilespmem:$0x7E50] =	vst v63  }
0x26: {  	_ =	swait.ge @!p0 [sflag:s24], $0x400  }
0x27: {  	s22 =	simm.s32 @!p0 $0x4;
	[sflag:s24] =	ssyncset.done @!p0 $0x0  }
0x28: {  	s21 =	simm.s32 @!p0 $0x80;
	[sflag:s24] =	ssyncadd.s32 @!p0 $0xFFFFFC00;
	s24 =	simm.s32 @!p0 $0x6690  }
0x29: {  	[tilespmem:s24], [sflag:$0x2] =	stream.indirect.gather @!p0 [hbm4b:s4+s21], $0x8, s23, s21, $0xb8;
	[tilespmem:$0x7E50] =	vst v63  }
0x2a: {  	s31 =	simm.s32 $0x1;
	s22 =	simm.s32 @p0 $0x3;
	s23 =	simm.s32 @!p0 $0x6290  }
0x2b: {  	[spmem:s2] =	stream.indirect.scatter.add.f32 @!p0 [tilespmem:s23], [sflag:$0x4], $0x8, s20, s21, $0xb8;
	[tilespmem:$0x7E50] =	vst v63  }
0x2c: {  	s24 =	sand.u32 $0x1, s31;
	s23 =	simm.s32 $0x2;
	_ =	swait.ge [sflag:s22], $0x400  }
0x2d: {  	s20 =	simm.s32 $0x1490;
	s21 =	simm.s32 $0x3B90;
	[sflag:s22] =	ssyncset.done $0x0  }
.LBB2_2:
0x2e: {  	p1 =	seq.s32 s24, $0x1  }
0x2f: {  	[sflag:s22] =	ssyncadd.s32 $0xFFFFFC00;
	s24 =	smov.u32 s23;
	s23 =	sadd.s32 $0x1, s23  }
0x30: {  	p0 =	sne.s32 s23, $0x4E;
	s25 =	simm.s32 @p1 $0x2;
	s22 =	simm.s32 @!p1 $0x4  }
0x31: {  	_ =	swait.ge @p1 [sflag:s25], $0x400  }
0x32: {  	[sflag:s25] =	ssyncset.done @p1 $0x0  }
0x33: {  	s26 =	simm.s32 @p1 $0x6290;
	[sflag:s25] =	ssyncadd.s32 @p1 $0xFFFFFC00;
	s25 =	simm.s32 @p1 $0x80  }
0x34: {  	[tilespmem:s26], [sflag:$0x1] =	stream.indirect.gather @p1 [hbm4b:s4+s25], $0x8, s20, s25, $0xb8;
	[tilespmem:$0x7E50] =	vst v63  }
0x35: {  	s28 =	simm.s32 @!p1 $0x1;
	s26 =	simm.s32 @p1 $0x6690  }
0x36: {  	[spmem:s2] =	stream.indirect.scatter.add.f32 @p1 [tilespmem:s26], [sflag:$0x3], $0x8, s21, s25, $0xb8;
	[tilespmem:$0x7E50] =	vst v63  }
0x37: {  	_ =	swait.ge @!p1 [sflag:s28], $0x400  }
0x38: {  	[sflag:s28] =	ssyncset.done @!p1 $0x0  }
0x39: {  	s25 =	simm.s32 @!p1 $0x80;
	s26 =	simm.s32 @!p1 $0x6690;
	[sflag:s28] =	ssyncadd.s32 @!p1 $0xFFFFFC00  }
0x3a: {  	[tilespmem:s26], [sflag:$0x2] =	stream.indirect.gather @!p1 [hbm4b:s4+s25], $0x8, s20, s25, $0xb8;
	[tilespmem:$0x7E50] =	vst v63  }
.Ltmp0:
0x3b: {  	_ = 	snop;
	(pc) =	sbr.rel @p0 .LBB2_2-.Ltmp0, $4  }
0x3c: {  	s22 =	simm.s32 @p1 $0x3;
	s26 =	simm.s32 @!p1 $0x6290  }
0x3d: {  	[spmem:s2] =	stream.indirect.scatter.add.f32 @!p1 [tilespmem:s26], [sflag:$0x4], $0x8, s21, s25, $0xb8;
	[tilespmem:$0x7E50] =	vst v63  }
0x3e: {  	s20 =	sadd.s32 $0x80, s20;
	_ =	swait.ge [sflag:s22], $0x400  }
0x3f: {  	s24 =	sand.u32 $0x1, s24;
	s21 =	sadd.s32 $0x80, s21;
	[sflag:s22] =	ssyncset.done $0x0  }
0x40: {  	p0 =	seq.s32 s24, $0x1  }
0x41: {  	[sflag:s22] =	ssyncadd.s32 $0xFFFFFC00;
	s22 =	simm.s32 @p0 $0x2  }
0x42: {  	_ =	swait.ge @p0 [sflag:s22], $0x400  }
0x43: {  	[sflag:s22] =	ssyncset.done @p0 $0x0  }
0x44: {  	s23 =	simm.s32 @p0 $0x6290;
	[sflag:s22] =	ssyncadd.s32 @p0 $0xFFFFFC00;
	s22 =	simm.s32 @p0 $0x80  }
0x45: {  	[tilespmem:s23], [sflag:$0x1] =	stream.indirect.gather @p0 [hbm4b:s4+s22], $0x8, s20, s22, $0xb8;
	[tilespmem:$0x7E50] =	vst v63  }
0x46: {  	s24 =	simm.s32 @!p0 $0x1;
	s23 =	simm.s32 @p0 $0x6690  }
0x47: {  	[spmem:s2] =	stream.indirect.scatter.add.f32 @p0 [tilespmem:s23], [sflag:$0x3], $0x8, s21, s22, $0xb8;
	[tilespmem:$0x7E50] =	vst v63  }
0x48: {  	_ =	swait.ge @!p0 [sflag:s24], $0x400  }
0x49: {  	s22 =	simm.s32 @!p0 $0x4;
	[sflag:s24] =	ssyncset.done @!p0 $0x0  }
0x4a: {  	s23 =	simm.s32 @!p0 $0x80;
	[sflag:s24] =	ssyncadd.s32 @!p0 $0xFFFFFC00;
	s24 =	simm.s32 @!p0 $0x6690  }
0x4b: {  	[tilespmem:s24], [sflag:$0x2] =	stream.indirect.gather @!p0 [hbm4b:s4+s23], $0x8, s20, s23, $0xb8;
	[tilespmem:$0x7E50] =	vst v63  }
0x4c: {  	s22 =	simm.s32 @p0 $0x3;
	s20 =	simm.s32 @!p0 $0x6290  }
0x4d: {  	[spmem:s2] =	stream.indirect.scatter.add.f32 @!p0 [tilespmem:s20], [sflag:$0x4], $0x8, s21, s23, $0xb8;
	[tilespmem:$0x7E50] =	vst v63  }
0x4e: {  	_ =	swait.ge [sflag:s22], $0x400  }
0x4f: {  	[sflag:s22] =	ssyncset.done $0x0  }
0x50: {  	[sflag:s22] =	ssyncadd.s32 $0xFFFFFC00  }
0x51: {  	_ =	swait.ge [sflag:s16], $0x400  }
0x52: {  	[sflag:s16] =	ssyncset.done $0x0  }
0x53: {  	[sflag:s16] =	ssyncadd.s32 $0xFFFFFC00  }
0x54: {  	[spmem:s2] =	stream.indirect.scatter.add.f32 [tilespmem:s15], [sflag:$0x4], $0x8, s17, s14, $0xb8;
	[tilespmem:$0x7E50] =	vst v63  }
0x55: {  	_ =	swait.ge [sflag:s18], $0x400  }
0x56: {  	[sflag:s18] =	ssyncset.done $0x0  }
0x57: {  	[sflag:s18] =	ssyncadd.s32 $0xFFFFFC00  }
0x58: {  	[bflag:$0x0] =	sbarrier.arrive $0xFFFF  }
0x59: {  	[tilespmem:s11], [sflag:$0x3] =	stream.linear.gather [spmem:s6], $0x13C0, $0x38;
	[tilespmem:$0x7E50] =	vst v63  }
0x5a: {  	s19 =	sadd.s32 $0x1, s19;
	_ =	swait.ge [sflag:s12], $0x13C0  }
0x5b: {  	p0 =	sne.s32 s19, s10;
	[sflag:s12] =	ssyncset.done $0x0  }
.Ltmp1:
0x5c: {  	[sflag:s12] =	ssyncadd.s32 $0xFFFFEC40;
	(pc) =	sbr.rel @p0 .LBB2_1-.Ltmp1, $4  }
0x5d: {  	[hbm4b:s9+s3] =	stream.linear.scatter [tilespmem:s11], [sflag:$0x3], $0x13C0, $0x38;
	[tilespmem:$0x7E50] =	vst v63  }
0x5e: {  	_ =	swait.ge [sflag:s12], $0x13C0  }
0x5f: {  	[sflag:s12] =	ssyncset.done $0x0  }
0x60: {  	[sflag:s12] =	ssyncadd.s32 $0xFFFFEC40  }
0x61: {  	_ =	sfence.sel $0x180000  }
0x62: {  	[bflag:$0x0] =	sbarrier.arrive $0xFFFF  }
0x63: {  	p0 =	sne.s32 s0, $0x0;
	_ =	strace $0x9000004A  }
0x64: {  	s0 =	sadd.s32 @!p0 $0x100000, s1;
	[bflag:$0x2] =	sbarrier.arrive $0xFFFF  }
0x65: {  	[sflag:s0] =	ssyncadd.tile.s32 @!p0 $0x1;
	_ =	shalt  }
.Lfunc_end2:
_tile_overlayer_lowered:
.L_overlay_start_2:
0x66: {  	(tag) =	ssettag $0x2  }
0x67: {  	s0 =	rddreg [dreg:$0x0];
	s2 =	stileid.u32  }
0x68: {  	s1 =	rddreg [dreg:$0x1];
	p0 =	sne.s32 s2, $0x0  }
0x69: {  	s3 =	rddreg [dreg:$0x2];
	[bflag:$0x3] =	sbarrier.arrive $0xFFFF;
	s2 =	simm.s32 @!p0 $0x1C03  }
0x6a: {  	[timem:s3], [sflag:s2] =	dma.local @!p0 [hbm:s0], s1  }
0x6b: {  	s0 =	simm.s32 @!p0 $0x3  }
0x6c: {  	_ =	swait.ge @!p0 [sflag:s0], s1  }
0x6d: {  	s1 =	ssub.s32 @!p0 $0x0, s1;
	[sflag:s0] =	ssyncset.done @!p0 $0x0  }
0x6e: {  	[sflag:s0] =	ssyncadd.s32 @!p0 s1  }
0x6f: {  	[bflag:$0x3] =	sbarrier.arrive $0xFFFF  }
0x70: {  	_ =	shalt  }

// kernel: kernel.16.cloned.1.call-start
scs
__scs_entry_jumppad:
0x0: {  	(pc) =	sbr.rel $0x88, $3  }
0x1: {  	(tag) =	ssettag $0x0;
	lr =	simm.s32 $0x1  }
0x2: {  	[smem:$0x3F97] =	sst lr;
	_ =	strace $0xD0000000  }
0x3: {  	_ = 	snop  }
0x4: {  	_ = 	snop  }
0x5: {  	_ = 	snop  }
0x6: {  	_ = 	snop  }
0x7: {  	_ = 	snop  }
__scs_overlays_trampoline_lowered:
0x8: {  	[smem:$0x3FA6] =	sst s0  }
0x9: {  	[smem:$0x3FA7] =	sst s1  }
0xa: {  	[smem:$0x3FA8] =	sst s2  }
0xb: {  	[smem:$0x3FA9] =	sst s3  }
0xc: {  	[smem:$0x3FAA] =	sst s4  }
0xd: {  	[smem:$0x3FAB] =	sst s5  }
0xe: {  	[smem:$0x3FAC] =	sst s6  }
0xf: {  	[smem:$0x3FAD] =	sst s7  }
0x10: {  	[smem:$0x3FAE] =	sst s8  }
0x11: {  	[smem:$0x3FAF] =	sst s9;
	s0 =	simm.s32 @!p0 $0x0  }
0x12: {  	s1 =	sld [smem:$0x3F95];
	s0 =	simm.s32 @p0 $0x1  }
0x13: {  	[smem:$0x3FB0] =	sst s0;
	s0 =	simm.s32 @!p1 $0x0  }
0x14: {  	s2 =	sld [smem:$0x3F94];
	s0 =	simm.s32 @p1 $0x1  }
0x15: {  	[smem:$0x3FB1] =	sst s0;
	s0 =	simm.s32 @!p2 $0x0  }
0x16: {  	s3 =	sld [smem:$0x3FDB];
	s0 =	simm.s32 @p2 $0x1  }
0x17: {  	s4 =	simm.s32 $0x1BF5;
	[smem:$0x3FB3] =	sst s0  }
0x18: {  	s0 =	sld [smem:$0x3F96];
	_ =	swait.ge [sflag:s4], $0x0  }
0x19: {  	s7 =	sld [smem:$0x3F97]  }
0x1a: {  	s8 =	sadd.s32 $0xFFFFE003, lr  }
0x1b: {  	s9 =	sadd.s32 $0xFFFFFEF7, lr;
	s5 =	simm.s32 $0xFFFFFFFF;
	p2 =	slt.u32 s8, $0xFFFFF086  }
0x1c: {  	p1 =	slt.u32 s9, $0xF7A;
	s5 =	simm.s32 @!p2 $0x0  }
0x1d: {  	s5 =	simm.s32 @p1 $0x1;
	p0 =	seq.s32 s7, s2  }
0x1e: {  	s7 =	smul.u32 @!p0 $0xF7A, s2;
	p2 =	seq.s32 @!p0 s5, $0x0  }
0x1f: {  	s9 =	smul.u32 $0xF7A, s1;
	s8 =	simm.s32 @!p0 $0x1BF5;
	p2 =	por !p2, p0  }
0x20: {  	[sflag:s8] =	ssyncset.s32 @!p0 $0xFFFFF086;
	s6 =	sadd.s32 @!p0 s3, s7;
	s7 =	simm.s32 @!p0 $0x108  }
0x21: {  	s3 =	sadd.s32 s3, s9;
	s6 =	sadd.s32 @!p0 $0x88, s6;
	s7 =	simm.s32 @p2 $0x1082  }
0x22: {  	[simem:s7], [sflag:s8] =	dma.local @!p0 [hbm:s6], $0xF7A  }
0x23: {  	s9 =	sor.u32 $0xD0000000, s2;
	s6 =	simm.s32 $0x108;
	_ =	swait.ge @!p0 [sflag:s8], $0x0  }
0x24: {  	s3 =	sadd.s32 $0x88, s3;
	s6 =	simm.s32 @!p1 $0x1082;
	[sflag:s4] =	ssyncset.s32 $0xFFFFF086  }
0x25: {  	[simem:s6], [sflag:s4] =	dma.local [hbm:s3], $0xF7A  }
0x26: {  	[smem:$0x3F97] =	sst s1;
	(tag) =	ssettag s2;
	_ =	strace s9  }
0x27: {  	s1 =	sld [smem:$0x3FA7]  }
0x28: {  	s2 =	sld [smem:$0x3FA8]  }
0x29: {  	s4 =	sld [smem:$0x3FAA]  }
0x2a: {  	p0 =	seq.s32 s5, $0x0;
	s5 =	sld [smem:$0x3FAB]  }
0x2b: {  	s6 =	sld [smem:$0x3FAC]  }
0x2c: {  	s7 =	sld [smem:$0x3FAD]  }
0x2d: {  	s3 =	simm.s32 $0x108;
	s8 =	sld [smem:$0x3FAE]  }
0x2e: {  	s3 =	simm.s32 @!p0 $0x1082;
	s9 =	sld [smem:$0x3FAF]  }
0x2f: {  	lr =	sadd.s32 s0, s3;
	s0 =	sld [smem:$0x3FA6]  }
0x30: {  	s3 =	sld [smem:$0x3FA9]  }
0x31: {  	[smem:$0x3FB2] =	sst s10  }
0x32: {  	s10 =	sld [smem:$0x3FB0];
	_ =	sdelay $0x3  }
0x33: {  	p0 =	seq.s32 s10, $0x1;
	s10 =	sld [smem:$0x3FB2];
	_ =	sdelay $0x3  }
0x34: {  	[smem:$0x3FB2] =	sst s10  }
0x35: {  	s10 =	sld [smem:$0x3FB1];
	_ =	sdelay $0x3  }
0x36: {  	p1 =	seq.s32 s10, $0x1;
	s10 =	sld [smem:$0x3FB2];
	_ =	sdelay $0x3  }
0x37: {  	[smem:$0x3FB2] =	sst s10  }
0x38: {  	s10 =	sld [smem:$0x3FB3]  }
0x39: {  	_ = 	snop;
	(pc) =	sbr.ind lr, $3  }
0x3a: {  	_ = 	snop  }
0x3b: {  	_ = 	snop  }
0x3c: {  	p2 =	seq.s32 s10, $0x1;
	s10 =	sld [smem:$0x3FB2]  }
0x3d: {  	_ =	shalt  }
0x3e: {  	_ =	shalt  }
0x3f: {  	_ =	shalt  }
0x40: {  	_ =	shalt  }
0x41: {  	_ =	shalt  }
0x42: {  	_ =	shalt  }
0x43: {  	_ =	shalt  }
0x44: {  	_ =	shalt  }
0x45: {  	_ =	shalt  }
0x46: {  	_ =	shalt  }
0x47: {  	_ =	shalt  }
0x48: {  	_ =	shalt  }
0x49: {  	_ =	shalt  }
0x4a: {  	_ =	shalt  }
0x4b: {  	_ =	shalt  }
0x4c: {  	_ =	shalt  }
0x4d: {  	_ =	shalt  }
0x4e: {  	_ =	shalt  }
0x4f: {  	_ =	shalt  }
0x50: {  	_ =	shalt  }
0x51: {  	_ =	shalt  }
0x52: {  	_ =	shalt  }
0x53: {  	_ =	shalt  }
0x54: {  	_ =	shalt  }
0x55: {  	_ =	shalt  }
0x56: {  	_ =	shalt  }
0x57: {  	_ =	shalt  }
0x58: {  	_ =	shalt  }
0x59: {  	_ =	shalt  }
0x5a: {  	_ =	shalt  }
0x5b: {  	_ =	shalt  }
0x5c: {  	_ =	shalt  }
0x5d: {  	_ =	shalt  }
0x5e: {  	_ =	shalt  }
0x5f: {  	_ =	shalt  }
0x60: {  	_ =	shalt  }
0x61: {  	_ =	shalt  }
0x62: {  	_ =	shalt  }
0x63: {  	_ =	shalt  }
0x64: {  	_ =	shalt  }
0x65: {  	_ =	shalt  }
0x66: {  	_ =	shalt  }
0x67: {  	_ =	shalt  }
0x68: {  	_ =	shalt  }
0x69: {  	_ =	shalt  }
0x6a: {  	_ =	shalt  }
0x6b: {  	_ =	shalt  }
0x6c: {  	_ =	shalt  }
0x6d: {  	_ =	shalt  }
0x6e: {  	_ =	shalt  }
0x6f: {  	_ =	shalt  }
0x70: {  	_ =	shalt  }
0x71: {  	_ =	shalt  }
0x72: {  	_ =	shalt  }
0x73: {  	_ =	shalt  }
0x74: {  	_ =	shalt  }
0x75: {  	_ =	shalt  }
0x76: {  	_ =	shalt  }
0x77: {  	_ =	shalt  }
0x78: {  	_ =	shalt  }
0x79: {  	_ =	shalt  }
0x7a: {  	_ =	shalt  }
0x7b: {  	_ =	shalt  }
0x7c: {  	_ =	shalt  }
0x7d: {  	_ =	shalt  }
0x7e: {  	_ =	shalt  }
0x7f: {  	_ =	shalt  }
0x80: {  	_ =	shalt  }
0x81: {  	_ =	shalt  }
0x82: {  	_ =	shalt  }
0x83: {  	_ =	shalt  }
0x84: {  	_ =	shalt  }
0x85: {  	_ =	shalt  }
0x86: {  	_ =	shalt  }
0x87: {  	_ =	shalt  }
.Lfunc_end0:
.L_simem_size_0:
called_computation.2_lowered:
.L_overlay_start_0:
0x88: {  	s2 =	sld [smem:$0x3FD9]  }
0x89: {  	s3 =	sld [smem:$0x3FFE];
	_ =	sdelay $0x1  }
0x8a: {  	s1 =	srdreg.scid  }
0x8b: {  	s0 =	sand.u32 $0x1, s1  }
0x8c: {  	s16 =	sshll.u32 s0, $0xA;
	s2 =	sadd.s32 s3, s2  }
0x8d: {  	s2 =	sadd.s32 s2, s16  }
0x8e: {  	[smem:$0x3FBE] =	sst s2  }
0x8f: {  	_ = 	snop  }
0x90: {  	(tm) =	ssettm $0x1  }
0x91: {  	s17 =	sld [smem:$0x3FFB];
	_ =	sdelay $0x3  }
0x92: {  	_ =	strace s17  }
0x93: {  	s2 =	sld [smem:$0x3FFC];
	_ =	sdelay $0x3  }
0x94: {  	_ =	strace s2  }
0x95: {  	s2 =	sld [smem:$0x3FFD];
	_ =	sdelay $0x3  }
0x96: {  	_ =	strace s2  }
0x97: {  	_ =	strace $0x8FFFFFFF  }
0x98: {  	s18 =	sld [smem:$0x3FDB];
	_ =	sdelay $0x1  }
0x99: {  	s19 =	simm.s32 $_scs_section_size  }
0x9a: {  	s4 =	simm.s32 $_size__tile_overlayer_lowered;
	s5 =	simm.s32 $_tile_overlayer_lowered  }
0x9b: {  	s22 =	simm.s32 $0x1BFF;
	s21 =	sshll.u32 s5, $0x1;
	s2 =	sadd.s32 s19, s18  }
0x9c: {  	s6 =	simm.s32 $0x0;
	s20 =	sshll.u32 s4, $0x1;
	s4 =	sadd.s32 s21, s2  }
0x9d: {  	[timem:s6], [sflag:s22] =	dma.local [hbm:s4], s20  }
0x9e: {  	_ =	swait.ge [sflag:s22], s20  }
0x9f: {  	s3 =	ssub.s32 $0x0, s20;
	[sflag:s22] =	ssyncset.done $0x0  }
0xa0: {  	[sflag:s22] =	ssyncadd.s32 s3;
	_ =	sdelay $0x1  }
0xa1: {  	s23 =	simm.s32 $0x1B8B  }
0xa2: {  	_ =	swait.ge [sflag:s23], $0x1  }
0xa3: {  	[sflag:s23] =	ssyncset.done $0x0  }
0xa4: {  	s25 =	simm.s32 $0x1B8E;
	s24 =	sld [smem:$0x3FFE];
	[sflag:s23] =	ssyncadd.s32 $0xFFFFFFFF  }
0xa5: {  	s26 =	simm.s32 $execute0_lowered;
	[smem:$0x3FD2] =	sst s25  }
0xa6: {  	s4 =	sshll.u32 s26, $0x1;
	_ =	strace $0x8000004C;
	[dreg:$0x1] =	wrdreg $0xFFFFFFFF  }
0xa7: {  	s28 =	simm.s32 $_size_execute0_lowered;
	s2 =	sadd.s32 s2, s4;
	[dreg:$0x0] =	wrdreg $0x0  }
0xa8: {  	s4 =	sshll.u32 s28, $0x1;
	[dreg:$0x2] =	wrdreg s2  }
0xa9: {  	[dreg:$0x3] =	wrdreg s4  }
0xaa: {  	[dreg:$0x4] =	wrdreg $0xC0  }
0xab: {  	_ =	task [dreg:s6], $0x5FFFF  }
0xac: {  	[dreg:$0x1] =	wrdreg $0xFFFFFFFF  }
0xad: {  	[dreg:$0x0] =	wrdreg $0x60  }
0xae: {  	[dreg:$0x2] =	wrdreg s24  }
0xaf: {  	[dreg:$0x3] =	wrdreg $0x0  }
0xb0: {  	[dreg:$0x4] =	wrdreg $0x9  }
0xb1: {  	_ =	task.clear_ibuf [dreg:s6], $0x5FFFF;
	_ =	strace $0x9000004C  }
0xb2: {  	s29 =	simm.s32 $0x9;
	_ =	strace $0x8000004E  }
0xb3: {  	_ =	swait.ge [sflag:s29], $0x1  }
0xb4: {  	[sflag:s29] =	ssyncadd.s32 $0xFFFFFFFF  }
0xb5: {  	_ =	strace $0x9000004E  }
0xb6: {  	_ =	sfence  }
0xb7: {  	s30 =	sld [smem:$0x0];
	_ =	sdelay $0x2  }
0xb8: {  	s31 =	sshll.u32 s1, $0xD;
	s1 =	sshrl.u32 s1, $0x2  }
0xb9: {  	s3 =	sand.u32 $0x4000, s31;
	s1 =	sadd.s32 s1, s30  }
0xba: {  	s0 =	sor.u32 s3, s0;
	s1 =	sshll.u32 s1, $0x11  }
0xbb: {  	s0 =	sor.u32 s1, s0  }
0xbc: {  	s0 =	sadd.s32 $0x8F2B, s0  }
0xbd: {  	[sflag:s0] =	ssyncadd.remote.s32 $0x1  }
0xbe: {  	_ =	sfence.sel $0xFFFF  }
0xbf: {  	[dreg:$0x0] =	wrdreg $0xFFFFFFFF;
	(pc) =	sbr.abs _section_cstart, $3  }
0xc0: {  	[dreg:$0x1] =	wrdreg $0xFFFFFFFF  }
0xc1: {  	_ =	task.clear_ibuf [dreg:s6], $0x2FFFF;
	_ =	strace $0x9FFFFFFF  }
0xc2: {  	(tm) =	ssettm $0x7FFFFFFF  }
0xc3: {  	_ =	shalt  }
tec
execute0_lowered:
.L_overlay_start_1:
0x0: {  	(tag) =	ssettag $0x1  }
0x1: {  	s0 =	srdreg.scid;
	s6 =	rddreg [dreg:$0x0]  }
0x2: {  	s2 =	rddreg [dreg:$0x1];
	s3 =	simm.s32 $0x0;
	s13 =	simm.s32 $0x1390  }
0x3: {  	s14 =	simm.s32 $0x80;
	s15 =	simm.s32 $0x6290;
	s16 =	simm.s32 $0x1  }
0x4: {  	s17 =	simm.s32 $0x6210;
	s18 =	simm.s32 $0x4;
	s19 =	simm.s32 $0x0  }
0x5: {  	s5 =	sand.u32 $0x1, s0;
	s0 =	stileid.u32;
	[smem:$0x7FF] =	sst s3  }
0x6: {  	s1 =	sshll.u32 s5, $0x4;
	s8 =	smul.u32 $0x278, s0;
	s29 =	ssub.s32 $0x2, s5  }
0x7: {  	s11 =	smul.u32 $0x2710, s5;
	s4 =	sor.u32 s0, s1;
	s1 =	rddreg [dreg:$0x2]  }
0x8: {  	_ =	strace $0x8000004D;
	s30 =	sshrl.u32 s29, $0x1;
	s7 =	smul.u32 $0x4F0, s4  }
0x9: {  	s4 =	sadd.s32 $0xE800, s6;
	s28 =	smin.u32 s8, $0x2498;
	s12 =	ssub.s32 s29, s30  }
0xa: {  	s10 =	sadd.s32 s28, s6;
	s31 =	sshll.u32 s28, $0x3;
	s9 =	sadd.s32 s7, s6  }
0xb: {  	s5 =	sadd.s32 $0xC000, s10;
	s6 =	sadd.s32 s31, s2;
	s10 =	sadd.s32 s11, s10  }
0xc: {  	s11 =	simm.s32 $0x6A90;
	s7 =	sadd.s32 $0x13800, s9;
	s8 =	sadd.s32 $0x2200, s9  }
0xd: {  	s9 =	sadd.s32 $0x1D600, s10;
	s10 =	smax.u32 s12, $0x1;
	s12 =	simm.s32 $0x3  }
.LBB2_1:
0xe: {  	[tilespmem:s11], [sflag:$0x3] =	stream.linear.gather [hbm4b:s5+s3], $0x13C0, $0x38;
	[tilespmem:$0x7E50] =	vst v63  }
0xf: {  	_ =	swait.ge [sflag:s12], $0x13C0  }
0x10: {  	[sflag:s12] =	ssyncset.done $0x0  }
0x11: {  	[sflag:s12] =	ssyncadd.s32 $0xFFFFEC40  }
0x12: {  	[spmem:s6] =	stream.linear.scatter [tilespmem:s11], [sflag:$0x3], $0x13C0, $0x38;
	[tilespmem:$0x7E50] =	vst v63  }
0x13: {  	_ =	swait.ge [sflag:s12], $0x13C0  }
0x14: {  	[sflag:s12] =	ssyncset.done $0x0  }
0x15: {  	[sflag:s12] =	ssyncadd.s32 $0xFFFFEC40  }
0x16: {  	[tilespmem:s13], [sflag:$0x3] =	stream.linear.gather [hbm4b:s7+s3], $0x2780, $0x38;
	[tilespmem:$0x7E50] =	vst v63  }
0x17: {  	_ =	swait.ge [sflag:s12], $0x2780  }
0x18: {  	[sflag:s12] =	ssyncset.done $0x0  }
0x19: {  	s20 =	simm.s32 $0x3B10;
	[sflag:s12] =	ssyncadd.s32 $0xFFFFD880  }
0x1a: {  	[tilespmem:s20], [sflag:$0x3] =	stream.linear.gather [hbm4b:s8+s3], $0x2780, $0x38;
	[tilespmem:$0x7E50] =	vst v63  }
0x1b: {  	_ =	swait.ge [sflag:s12], $0x2780  }
0x1c: {  	s21 =	sand.u32 $0x1, s3;
	[sflag:s12] =	ssyncset.done $0x0  }
0x1d: {  	p0 =	seq.s32 s21, $0x1;
	[sflag:s12] =	ssyncadd.s32 $0xFFFFD880  }
0x1e: {  	s21 =	simm.s32 @p0 $0x2;
	[bflag:$0x0] =	sbarrier.arrive $0xFFFF  }
0x1f: {  	[tilespmem:s15], [sflag:$0x1] =	stream.indirect.gather [hbm4b:s4+s14], $0x8, s13, s14, $0xb8;
	[tilespmem:$0x7E50] =	vst v63  }
0x20: {  	_ =	swait.ge @p0 [sflag:s21], $0x400  }
0x21: {  	s23 =	simm.s32 $0x1410;
	[sflag:s21] =	ssyncset.done @p0 $0x0  }
0x22: {  	s22 =	simm.s32 @p0 $0x6290;
	[sflag:s21] =	ssyncadd.s32 @p0 $0xFFFFFC00;
	s21 =	simm.s32 @p0 $0x80  }
0x23: {  	[tilespmem:s22], [sflag:$0x1] =	stream.indirect.gather @p0 [hbm4b:s4+s21], $0x8, s23, s21, $0xb8;
	[tilespmem:$0x7E50] =	vst v63  }
0x24: {  	s24 =	simm.s32 @!p0 $0x1;
	s22 =	simm.s32 @p0 $0x6690  }
0x25: {  	[spmem:s2] =	stream.indirect.scatter.add.f32 @p0 [tilespmem:s22], [sflag:$0x3], $0x8, s20, s21, $0xb8;
	[tilespmem:$0x7E50] =	vst v63  }
0x26: {  	_ =	swait.ge @!p0 [sflag:s24], $0x400  }
0x27: {  	s22 =	simm.s32 @!p0 $0x4;
	[sflag:s24] =	ssyncset.done @!p0 $0x0  }
0x28: {  	s21 =	simm.s32 @!p0 $0x80;
	[sflag:s24] =	ssyncadd.s32 @!p0 $0xFFFFFC00;
	s24 =	simm.s32 @!p0 $0x6690  }
0x29: {  	[tilespmem:s24], [sflag:$0x2] =	stream.indirect.gather @!p0 [hbm4b:s4+s21], $0x8, s23, s21, $0xb8;
	[tilespmem:$0x7E50] =	vst v63  }
0x2a: {  	s31 =	simm.s32 $0x1;
	s22 =	simm.s32 @p0 $0x3;
	s23 =	simm.s32 @!p0 $0x6290  }
0x2b: {  	[spmem:s2] =	stream.indirect.scatter.add.f32 @!p0 [tilespmem:s23], [sflag:$0x4], $0x8, s20, s21, $0xb8;
	[tilespmem:$0x7E50] =	vst v63  }
0x2c: {  	s24 =	sand.u32 $0x1, s31;
	s23 =	simm.s32 $0x2;
	_ =	swait.ge [sflag:s22], $0x400  }
0x2d: {  	s20 =	simm.s32 $0x1490;
	s21 =	simm.s32 $0x3B90;
	[sflag:s22] =	ssyncset.done $0x0  }
.LBB2_2:
0x2e: {  	p1 =	seq.s32 s24, $0x1  }
0x2f: {  	[sflag:s22] =	ssyncadd.s32 $0xFFFFFC00;
	s24 =	smov.u32 s23;
	s23 =	sadd.s32 $0x1, s23  }
0x30: {  	p0 =	sne.s32 s23, $0x4E;
	s25 =	simm.s32 @p1 $0x2;
	s22 =	simm.s32 @!p1 $0x4  }
0x31: {  	_ =	swait.ge @p1 [sflag:s25], $0x400  }
0x32: {  	[sflag:s25] =	ssyncset.done @p1 $0x0  }
0x33: {  	s26 =	simm.s32 @p1 $0x6290;
	[sflag:s25] =	ssyncadd.s32 @p1 $0xFFFFFC00;
	s25 =	simm.s32 @p1 $0x80  }
0x34: {  	[tilespmem:s26], [sflag:$0x1] =	stream.indirect.gather @p1 [hbm4b:s4+s25], $0x8, s20, s25, $0xb8;
	[tilespmem:$0x7E50] =	vst v63  }
0x35: {  	s28 =	simm.s32 @!p1 $0x1;
	s26 =	simm.s32 @p1 $0x6690  }
0x36: {  	[spmem:s2] =	stream.indirect.scatter.add.f32 @p1 [tilespmem:s26], [sflag:$0x3], $0x8, s21, s25, $0xb8;
	[tilespmem:$0x7E50] =	vst v63  }
0x37: {  	_ =	swait.ge @!p1 [sflag:s28], $0x400  }
0x38: {  	[sflag:s28] =	ssyncset.done @!p1 $0x0  }
0x39: {  	s25 =	simm.s32 @!p1 $0x80;
	s26 =	simm.s32 @!p1 $0x6690;
	[sflag:s28] =	ssyncadd.s32 @!p1 $0xFFFFFC00  }
0x3a: {  	[tilespmem:s26], [sflag:$0x2] =	stream.indirect.gather @!p1 [hbm4b:s4+s25], $0x8, s20, s25, $0xb8;
	[tilespmem:$0x7E50] =	vst v63  }
.Ltmp0:
0x3b: {  	_ = 	snop;
	(pc) =	sbr.rel @p0 .LBB2_2-.Ltmp0, $4  }
0x3c: {  	s22 =	simm.s32 @p1 $0x3;
	s26 =	simm.s32 @!p1 $0x6290  }
0x3d: {  	[spmem:s2] =	stream.indirect.scatter.add.f32 @!p1 [tilespmem:s26], [sflag:$0x4], $0x8, s21, s25, $0xb8;
	[tilespmem:$0x7E50] =	vst v63  }
0x3e: {  	s20 =	sadd.s32 $0x80, s20;
	_ =	swait.ge [sflag:s22], $0x400  }
0x3f: {  	s24 =	sand.u32 $0x1, s24;
	s21 =	sadd.s32 $0x80, s21;
	[sflag:s22] =	ssyncset.done $0x0  }
0x40: {  	p0 =	seq.s32 s24, $0x1  }
0x41: {  	[sflag:s22] =	ssyncadd.s32 $0xFFFFFC00;
	s22 =	simm.s32 @p0 $0x2  }
0x42: {  	_ =	swait.ge @p0 [sflag:s22], $0x400  }
0x43: {  	[sflag:s22] =	ssyncset.done @p0 $0x0  }
0x44: {  	s23 =	simm.s32 @p0 $0x6290;
	[sflag:s22] =	ssyncadd.s32 @p0 $0xFFFFFC00;
	s22 =	simm.s32 @p0 $0x80  }
0x45: {  	[tilespmem:s23], [sflag:$0x1] =	stream.indirect.gather @p0 [hbm4b:s4+s22], $0x8, s20, s22, $0xb8;
	[tilespmem:$0x7E50] =	vst v63  }
0x46: {  	s24 =	simm.s32 @!p0 $0x1;
	s23 =	simm.s32 @p0 $0x6690  }
0x47: {  	[spmem:s2] =	stream.indirect.scatter.add.f32 @p0 [tilespmem:s23], [sflag:$0x3], $0x8, s21, s22, $0xb8;
	[tilespmem:$0x7E50] =	vst v63  }
0x48: {  	_ =	swait.ge @!p0 [sflag:s24], $0x400  }
0x49: {  	s22 =	simm.s32 @!p0 $0x4;
	[sflag:s24] =	ssyncset.done @!p0 $0x0  }
0x4a: {  	s23 =	simm.s32 @!p0 $0x80;
	[sflag:s24] =	ssyncadd.s32 @!p0 $0xFFFFFC00;
	s24 =	simm.s32 @!p0 $0x6690  }
0x4b: {  	[tilespmem:s24], [sflag:$0x2] =	stream.indirect.gather @!p0 [hbm4b:s4+s23], $0x8, s20, s23, $0xb8;
	[tilespmem:$0x7E50] =	vst v63  }
0x4c: {  	s22 =	simm.s32 @p0 $0x3;
	s20 =	simm.s32 @!p0 $0x6290  }
0x4d: {  	[spmem:s2] =	stream.indirect.scatter.add.f32 @!p0 [tilespmem:s20], [sflag:$0x4], $0x8, s21, s23, $0xb8;
	[tilespmem:$0x7E50] =	vst v63  }
0x4e: {  	_ =	swait.ge [sflag:s22], $0x400  }
0x4f: {  	[sflag:s22] =	ssyncset.done $0x0  }
0x50: {  	[sflag:s22] =	ssyncadd.s32 $0xFFFFFC00  }
0x51: {  	_ =	swait.ge [sflag:s16], $0x400  }
0x52: {  	[sflag:s16] =	ssyncset.done $0x0  }
0x53: {  	[sflag:s16] =	ssyncadd.s32 $0xFFFFFC00  }
0x54: {  	[spmem:s2] =	stream.indirect.scatter.add.f32 [tilespmem:s15], [sflag:$0x4], $0x8, s17, s14, $0xb8;
	[tilespmem:$0x7E50] =	vst v63  }
0x55: {  	_ =	swait.ge [sflag:s18], $0x400  }
0x56: {  	[sflag:s18] =	ssyncset.done $0x0  }
0x57: {  	[sflag:s18] =	ssyncadd.s32 $0xFFFFFC00  }
0x58: {  	[bflag:$0x0] =	sbarrier.arrive $0xFFFF  }
0x59: {  	[tilespmem:s11], [sflag:$0x3] =	stream.linear.gather [spmem:s6], $0x13C0, $0x38;
	[tilespmem:$0x7E50] =	vst v63  }
0x5a: {  	s19 =	sadd.s32 $0x1, s19;
	_ =	swait.ge [sflag:s12], $0x13C0  }
0x5b: {  	p0 =	sne.s32 s19, s10;
	[sflag:s12] =	ssyncset.done $0x0  }
.Ltmp1:
0x5c: {  	[sflag:s12] =	ssyncadd.s32 $0xFFFFEC40;
	(pc) =	sbr.rel @p0 .LBB2_1-.Ltmp1, $4  }
0x5d: {  	[hbm4b:s9+s3] =	stream.linear.scatter [tilespmem:s11], [sflag:$0x3], $0x13C0, $0x38;
	[tilespmem:$0x7E50] =	vst v63  }
0x5e: {  	_ =	swait.ge [sflag:s12], $0x13C0  }
0x5f: {  	[sflag:s12] =	ssyncset.done $0x0  }
0x60: {  	[sflag:s12] =	ssyncadd.s32 $0xFFFFEC40  }
0x61: {  	_ =	sfence.sel $0x180000  }
0x62: {  	[bflag:$0x0] =	sbarrier.arrive $0xFFFF  }
0x63: {  	p0 =	sne.s32 s0, $0x0;
	_ =	strace $0x9000004D  }
0x64: {  	s0 =	sadd.s32 @!p0 $0x100000, s1;
	[bflag:$0x2] =	sbarrier.arrive $0xFFFF  }
0x65: {  	[sflag:s0] =	ssyncadd.tile.s32 @!p0 $0x1;
	_ =	shalt  }
.Lfunc_end2:
_tile_overlayer_lowered:
.L_overlay_start_2:
0x66: {  	(tag) =	ssettag $0x2  }
0x67: {  	s0 =	rddreg [dreg:$0x0];
	s2 =	stileid.u32  }
0x68: {  	s1 =	rddreg [dreg:$0x1];
	p0 =	sne.s32 s2, $0x0  }
0x69: {  	s3 =	rddreg [dreg:$0x2];
	[bflag:$0x3] =	sbarrier.arrive $0xFFFF;
	s2 =	simm.s32 @!p0 $0x1C03  }
0x6a: {  	[timem:s3], [sflag:s2] =	dma.local @!p0 [hbm:s0], s1  }
0x6b: {  	s0 =	simm.s32 @!p0 $0x3  }
0x6c: {  	_ =	swait.ge @!p0 [sflag:s0], s1  }
0x6d: {  	s1 =	ssub.s32 @!p0 $0x0, s1;
	[sflag:s0] =	ssyncset.done @!p0 $0x0  }
0x6e: {  	[sflag:s0] =	ssyncadd.s32 @!p0 s1  }
0x6f: {  	[bflag:$0x3] =	sbarrier.arrive $0xFFFF  }
0x70: {  	_ =	shalt  }

// kernel: kernel.19.cloned.1.call-start
scs
__scs_entry_jumppad:
0x0: {  	(pc) =	sbr.rel $0x88, $3  }
0x1: {  	(tag) =	ssettag $0x0;
	lr =	simm.s32 $0x1  }
0x2: {  	[smem:$0x3F97] =	sst lr;
	_ =	strace $0xD0000000  }
0x3: {  	_ = 	snop  }
0x4: {  	_ = 	snop  }
0x5: {  	_ = 	snop  }
0x6: {  	_ = 	snop  }
0x7: {  	_ = 	snop  }
__scs_overlays_trampoline_lowered:
0x8: {  	[smem:$0x3FA6] =	sst s0  }
0x9: {  	[smem:$0x3FA7] =	sst s1  }
0xa: {  	[smem:$0x3FA8] =	sst s2  }
0xb: {  	[smem:$0x3FA9] =	sst s3  }
0xc: {  	[smem:$0x3FAA] =	sst s4  }
0xd: {  	[smem:$0x3FAB] =	sst s5  }
0xe: {  	[smem:$0x3FAC] =	sst s6  }
0xf: {  	[smem:$0x3FAD] =	sst s7  }
0x10: {  	[smem:$0x3FAE] =	sst s8  }
0x11: {  	[smem:$0x3FAF] =	sst s9;
	s0 =	simm.s32 @!p0 $0x0  }
0x12: {  	s1 =	sld [smem:$0x3F95];
	s0 =	simm.s32 @p0 $0x1  }
0x13: {  	[smem:$0x3FB0] =	sst s0;
	s0 =	simm.s32 @!p1 $0x0  }
0x14: {  	s2 =	sld [smem:$0x3F94];
	s0 =	simm.s32 @p1 $0x1  }
0x15: {  	[smem:$0x3FB1] =	sst s0;
	s0 =	simm.s32 @!p2 $0x0  }
0x16: {  	s3 =	sld [smem:$0x3FDB];
	s0 =	simm.s32 @p2 $0x1  }
0x17: {  	s4 =	simm.s32 $0x1BF5;
	[smem:$0x3FB3] =	sst s0  }
0x18: {  	s0 =	sld [smem:$0x3F96];
	_ =	swait.ge [sflag:s4], $0x0  }
0x19: {  	s7 =	sld [smem:$0x3F97]  }
0x1a: {  	s8 =	sadd.s32 $0xFFFFE003, lr  }
0x1b: {  	s9 =	sadd.s32 $0xFFFFFEF7, lr;
	s5 =	simm.s32 $0xFFFFFFFF;
	p2 =	slt.u32 s8, $0xFFFFF086  }
0x1c: {  	p1 =	slt.u32 s9, $0xF7A;
	s5 =	simm.s32 @!p2 $0x0  }
0x1d: {  	s5 =	simm.s32 @p1 $0x1;
	p0 =	seq.s32 s7, s2  }
0x1e: {  	s7 =	smul.u32 @!p0 $0xF7A, s2;
	p2 =	seq.s32 @!p0 s5, $0x0  }
0x1f: {  	s9 =	smul.u32 $0xF7A, s1;
	s8 =	simm.s32 @!p0 $0x1BF5;
	p2 =	por !p2, p0  }
0x20: {  	[sflag:s8] =	ssyncset.s32 @!p0 $0xFFFFF086;
	s6 =	sadd.s32 @!p0 s3, s7;
	s7 =	simm.s32 @!p0 $0x108  }
0x21: {  	s3 =	sadd.s32 s3, s9;
	s6 =	sadd.s32 @!p0 $0x88, s6;
	s7 =	simm.s32 @p2 $0x1082  }
0x22: {  	[simem:s7], [sflag:s8] =	dma.local @!p0 [hbm:s6], $0xF7A  }
0x23: {  	s9 =	sor.u32 $0xD0000000, s2;
	s6 =	simm.s32 $0x108;
	_ =	swait.ge @!p0 [sflag:s8], $0x0  }
0x24: {  	s3 =	sadd.s32 $0x88, s3;
	s6 =	simm.s32 @!p1 $0x1082;
	[sflag:s4] =	ssyncset.s32 $0xFFFFF086  }
0x25: {  	[simem:s6], [sflag:s4] =	dma.local [hbm:s3], $0xF7A  }
0x26: {  	[smem:$0x3F97] =	sst s1;
	(tag) =	ssettag s2;
	_ =	strace s9  }
0x27: {  	s1 =	sld [smem:$0x3FA7]  }
0x28: {  	s2 =	sld [smem:$0x3FA8]  }
0x29: {  	s4 =	sld [smem:$0x3FAA]  }
0x2a: {  	p0 =	seq.s32 s5, $0x0;
	s5 =	sld [smem:$0x3FAB]  }
0x2b: {  	s6 =	sld [smem:$0x3FAC]  }
0x2c: {  	s7 =	sld [smem:$0x3FAD]  }
0x2d: {  	s3 =	simm.s32 $0x108;
	s8 =	sld [smem:$0x3FAE]  }
0x2e: {  	s3 =	simm.s32 @!p0 $0x1082;
	s9 =	sld [smem:$0x3FAF]  }
0x2f: {  	lr =	sadd.s32 s0, s3;
	s0 =	sld [smem:$0x3FA6]  }
0x30: {  	s3 =	sld [smem:$0x3FA9]  }
0x31: {  	[smem:$0x3FB2] =	sst s10  }
0x32: {  	s10 =	sld [smem:$0x3FB0];
	_ =	sdelay $0x3  }
0x33: {  	p0 =	seq.s32 s10, $0x1;
	s10 =	sld [smem:$0x3FB2];
	_ =	sdelay $0x3  }
0x34: {  	[smem:$0x3FB2] =	sst s10  }
0x35: {  	s10 =	sld [smem:$0x3FB1];
	_ =	sdelay $0x3  }
0x36: {  	p1 =	seq.s32 s10, $0x1;
	s10 =	sld [smem:$0x3FB2];
	_ =	sdelay $0x3  }
0x37: {  	[smem:$0x3FB2] =	sst s10  }
0x38: {  	s10 =	sld [smem:$0x3FB3]  }
0x39: {  	_ = 	snop;
	(pc) =	sbr.ind lr, $3  }
0x3a: {  	_ = 	snop  }
0x3b: {  	_ = 	snop  }
0x3c: {  	p2 =	seq.s32 s10, $0x1;
	s10 =	sld [smem:$0x3FB2]  }
0x3d: {  	_ =	shalt  }
0x3e: {  	_ =	shalt  }
0x3f: {  	_ =	shalt  }
0x40: {  	_ =	shalt  }
0x41: {  	_ =	shalt  }
0x42: {  	_ =	shalt  }
0x43: {  	_ =	shalt  }
0x44: {  	_ =	shalt  }
0x45: {  	_ =	shalt  }
0x46: {  	_ =	shalt  }
0x47: {  	_ =	shalt  }
0x48: {  	_ =	shalt  }
0x49: {  	_ =	shalt  }
0x4a: {  	_ =	shalt  }
0x4b: {  	_ =	shalt  }
0x4c: {  	_ =	shalt  }
0x4d: {  	_ =	shalt  }
0x4e: {  	_ =	shalt  }
0x4f: {  	_ =	shalt  }
0x50: {  	_ =	shalt  }
0x51: {  	_ =	shalt  }
0x52: {  	_ =	shalt  }
0x53: {  	_ =	shalt  }
0x54: {  	_ =	shalt  }
0x55: {  	_ =	shalt  }
0x56: {  	_ =	shalt  }
0x57: {  	_ =	shalt  }
0x58: {  	_ =	shalt  }
0x59: {  	_ =	shalt  }
0x5a: {  	_ =	shalt  }
0x5b: {  	_ =	shalt  }
0x5c: {  	_ =	shalt  }
0x5d: {  	_ =	shalt  }
0x5e: {  	_ =	shalt  }
0x5f: {  	_ =	shalt  }
0x60: {  	_ =	shalt  }
0x61: {  	_ =	shalt  }
0x62: {  	_ =	shalt  }
0x63: {  	_ =	shalt  }
0x64: {  	_ =	shalt  }
0x65: {  	_ =	shalt  }
0x66: {  	_ =	shalt  }
0x67: {  	_ =	shalt  }
0x68: {  	_ =	shalt  }
0x69: {  	_ =	shalt  }
0x6a: {  	_ =	shalt  }
0x6b: {  	_ =	shalt  }
0x6c: {  	_ =	shalt  }
0x6d: {  	_ =	shalt  }
0x6e: {  	_ =	shalt  }
0x6f: {  	_ =	shalt  }
0x70: {  	_ =	shalt  }
0x71: {  	_ =	shalt  }
0x72: {  	_ =	shalt  }
0x73: {  	_ =	shalt  }
0x74: {  	_ =	shalt  }
0x75: {  	_ =	shalt  }
0x76: {  	_ =	shalt  }
0x77: {  	_ =	shalt  }
0x78: {  	_ =	shalt  }
0x79: {  	_ =	shalt  }
0x7a: {  	_ =	shalt  }
0x7b: {  	_ =	shalt  }
0x7c: {  	_ =	shalt  }
0x7d: {  	_ =	shalt  }
0x7e: {  	_ =	shalt  }
0x7f: {  	_ =	shalt  }
0x80: {  	_ =	shalt  }
0x81: {  	_ =	shalt  }
0x82: {  	_ =	shalt  }
0x83: {  	_ =	shalt  }
0x84: {  	_ =	shalt  }
0x85: {  	_ =	shalt  }
0x86: {  	_ =	shalt  }
0x87: {  	_ =	shalt  }
.Lfunc_end0:
.L_simem_size_0:
called_computation.3_lowered:
.L_overlay_start_0:
0x88: {  	s2 =	sld [smem:$0x3FD9]  }
0x89: {  	s3 =	sld [smem:$0x3FFE];
	_ =	sdelay $0x1  }
0x8a: {  	s1 =	srdreg.scid  }
0x8b: {  	s0 =	sand.u32 $0x1, s1  }
0x8c: {  	s16 =	sshll.u32 s0, $0xA;
	s2 =	sadd.s32 s3, s2  }
0x8d: {  	s2 =	sadd.s32 s2, s16  }
0x8e: {  	[smem:$0x3FBE] =	sst s2  }
0x8f: {  	_ = 	snop  }
0x90: {  	(tm) =	ssettm $0x1  }
0x91: {  	s17 =	sld [smem:$0x3FFB];
	_ =	sdelay $0x3  }
0x92: {  	_ =	strace s17  }
0x93: {  	s2 =	sld [smem:$0x3FFC];
	_ =	sdelay $0x3  }
0x94: {  	_ =	strace s2  }
0x95: {  	s2 =	sld [smem:$0x3FFD];
	_ =	sdelay $0x3  }
0x96: {  	_ =	strace s2  }
0x97: {  	_ =	strace $0x8FFFFFFF  }
0x98: {  	s18 =	sld [smem:$0x3FDB];
	_ =	sdelay $0x1  }
0x99: {  	s19 =	simm.s32 $_scs_section_size  }
0x9a: {  	s4 =	simm.s32 $_size__tile_overlayer_lowered;
	s5 =	simm.s32 $_tile_overlayer_lowered  }
0x9b: {  	s22 =	simm.s32 $0x1BFF;
	s21 =	sshll.u32 s5, $0x1;
	s2 =	sadd.s32 s19, s18  }
0x9c: {  	s6 =	simm.s32 $0x0;
	s20 =	sshll.u32 s4, $0x1;
	s4 =	sadd.s32 s21, s2  }
0x9d: {  	[timem:s6], [sflag:s22] =	dma.local [hbm:s4], s20  }
0x9e: {  	_ =	swait.ge [sflag:s22], s20  }
0x9f: {  	s3 =	ssub.s32 $0x0, s20;
	[sflag:s22] =	ssyncset.done $0x0  }
0xa0: {  	[sflag:s22] =	ssyncadd.s32 s3;
	_ =	sdelay $0x1  }
0xa1: {  	s23 =	simm.s32 $0x1B8B  }
0xa2: {  	_ =	swait.ge [sflag:s23], $0x1  }
0xa3: {  	[sflag:s23] =	ssyncset.done $0x0  }
0xa4: {  	s25 =	simm.s32 $0x1B8E;
	s24 =	sld [smem:$0x3FFE];
	[sflag:s23] =	ssyncadd.s32 $0xFFFFFFFF  }
0xa5: {  	s26 =	simm.s32 $execute0_lowered;
	[smem:$0x3FD2] =	sst s25  }
0xa6: {  	s4 =	sshll.u32 s26, $0x1;
	_ =	strace $0x8000004F;
	[dreg:$0x1] =	wrdreg $0xFFFFFFFF  }
0xa7: {  	s28 =	simm.s32 $_size_execute0_lowered;
	s2 =	sadd.s32 s2, s4;
	[dreg:$0x0] =	wrdreg $0x0  }
0xa8: {  	s4 =	sshll.u32 s28, $0x1;
	[dreg:$0x2] =	wrdreg s2  }
0xa9: {  	[dreg:$0x3] =	wrdreg s4  }
0xaa: {  	[dreg:$0x4] =	wrdreg $0xC0  }
0xab: {  	_ =	task [dreg:s6], $0x5FFFF  }
0xac: {  	[dreg:$0x1] =	wrdreg $0xFFFFFFFF  }
0xad: {  	[dreg:$0x0] =	wrdreg $0x60  }
0xae: {  	[dreg:$0x2] =	wrdreg s24  }
0xaf: {  	[dreg:$0x3] =	wrdreg $0x0  }
0xb0: {  	[dreg:$0x4] =	wrdreg $0x9  }
0xb1: {  	_ =	task.clear_ibuf [dreg:s6], $0x5FFFF;
	_ =	strace $0x9000004F  }
0xb2: {  	s29 =	simm.s32 $0x9;
	_ =	strace $0x80000051  }
0xb3: {  	_ =	swait.ge [sflag:s29], $0x1  }
0xb4: {  	[sflag:s29] =	ssyncadd.s32 $0xFFFFFFFF  }
0xb5: {  	_ =	strace $0x90000051  }
0xb6: {  	_ =	sfence  }
0xb7: {  	s30 =	sld [smem:$0x0];
	_ =	sdelay $0x2  }
0xb8: {  	s31 =	sshll.u32 s1, $0xD;
	s1 =	sshrl.u32 s1, $0x2  }
0xb9: {  	s3 =	sand.u32 $0x4000, s31;
	s1 =	sadd.s32 s1, s30  }
0xba: {  	s0 =	sor.u32 s3, s0;
	s1 =	sshll.u32 s1, $0x11  }
0xbb: {  	s0 =	sor.u32 s1, s0  }
0xbc: {  	s0 =	sadd.s32 $0x8F2B, s0  }
0xbd: {  	[sflag:s0] =	ssyncadd.remote.s32 $0x1  }
0xbe: {  	_ =	sfence.sel $0xFFFF  }
0xbf: {  	[dreg:$0x0] =	wrdreg $0xFFFFFFFF;
	(pc) =	sbr.abs _section_cstart, $3  }
0xc0: {  	[dreg:$0x1] =	wrdreg $0xFFFFFFFF  }
0xc1: {  	_ =	task.clear_ibuf [dreg:s6], $0x2FFFF;
	_ =	strace $0x9FFFFFFF  }
0xc2: {  	(tm) =	ssettm $0x7FFFFFFF  }
0xc3: {  	_ =	shalt  }
tec
execute0_lowered:
.L_overlay_start_1:
0x0: {  	(tag) =	ssettag $0x1  }
0x1: {  	s0 =	srdreg.scid;
	s6 =	rddreg [dreg:$0x0]  }
0x2: {  	s2 =	rddreg [dreg:$0x1];
	s3 =	simm.s32 $0x0;
	s13 =	simm.s32 $0x1390  }
0x3: {  	s14 =	simm.s32 $0x80;
	s15 =	simm.s32 $0x6290;
	s16 =	simm.s32 $0x1  }
0x4: {  	s17 =	simm.s32 $0x6210;
	s18 =	simm.s32 $0x4;
	s19 =	simm.s32 $0x0  }
0x5: {  	s5 =	sand.u32 $0x1, s0;
	s0 =	stileid.u32;
	[smem:$0x7FF] =	sst s3  }
0x6: {  	s1 =	sshll.u32 s5, $0x4;
	s8 =	smul.u32 $0x278, s0;
	s29 =	ssub.s32 $0x2, s5  }
0x7: {  	s11 =	smul.u32 $0x2710, s5;
	s4 =	sor.u32 s0, s1;
	s1 =	rddreg [dreg:$0x2]  }
0x8: {  	_ =	strace $0x80000050;
	s30 =	sshrl.u32 s29, $0x1;
	s7 =	smul.u32 $0x4F0, s4  }
0x9: {  	s4 =	sadd.s32 $0xE800, s6;
	s28 =	smin.u32 s8, $0x2498;
	s12 =	ssub.s32 s29, s30  }
0xa: {  	s10 =	sadd.s32 s28, s6;
	s31 =	sshll.u32 s28, $0x3;
	s9 =	sadd.s32 s7, s6  }
0xb: {  	s5 =	sadd.s32 $0xC000, s10;
	s6 =	sadd.s32 s31, s2;
	s10 =	sadd.s32 s11, s10  }
0xc: {  	s11 =	simm.s32 $0x6A90;
	s7 =	sadd.s32 $0x13800, s9;
	s8 =	sadd.s32 $0x2200, s9  }
0xd: {  	s9 =	sadd.s32 $0x1D600, s10;
	s10 =	smax.u32 s12, $0x1;
	s12 =	simm.s32 $0x3  }
.LBB2_1:
0xe: {  	[tilespmem:s11], [sflag:$0x3] =	stream.linear.gather [hbm4b:s5+s3], $0x13C0, $0x38;
	[tilespmem:$0x7E50] =	vst v63  }
0xf: {  	_ =	swait.ge [sflag:s12], $0x13C0  }
0x10: {  	[sflag:s12] =	ssyncset.done $0x0  }
0x11: {  	[sflag:s12] =	ssyncadd.s32 $0xFFFFEC40  }
0x12: {  	[spmem:s6] =	stream.linear.scatter [tilespmem:s11], [sflag:$0x3], $0x13C0, $0x38;
	[tilespmem:$0x7E50] =	vst v63  }
0x13: {  	_ =	swait.ge [sflag:s12], $0x13C0  }
0x14: {  	[sflag:s12] =	ssyncset.done $0x0  }
0x15: {  	[sflag:s12] =	ssyncadd.s32 $0xFFFFEC40  }
0x16: {  	[tilespmem:s13], [sflag:$0x3] =	stream.linear.gather [hbm4b:s7+s3], $0x2780, $0x38;
	[tilespmem:$0x7E50] =	vst v63  }
0x17: {  	_ =	swait.ge [sflag:s12], $0x2780  }
0x18: {  	[sflag:s12] =	ssyncset.done $0x0  }
0x19: {  	s20 =	simm.s32 $0x3B10;
	[sflag:s12] =	ssyncadd.s32 $0xFFFFD880  }
0x1a: {  	[tilespmem:s20], [sflag:$0x3] =	stream.linear.gather [hbm4b:s8+s3], $0x2780, $0x38;
	[tilespmem:$0x7E50] =	vst v63  }
0x1b: {  	_ =	swait.ge [sflag:s12], $0x2780  }
0x1c: {  	s21 =	sand.u32 $0x1, s3;
	[sflag:s12] =	ssyncset.done $0x0  }
0x1d: {  	p0 =	seq.s32 s21, $0x1;
	[sflag:s12] =	ssyncadd.s32 $0xFFFFD880  }
0x1e: {  	s21 =	simm.s32 @p0 $0x2;
	[bflag:$0x0] =	sbarrier.arrive $0xFFFF  }
0x1f: {  	[tilespmem:s15], [sflag:$0x1] =	stream.indirect.gather [hbm4b:s4+s14], $0x8, s13, s14, $0xb8;
	[tilespmem:$0x7E50] =	vst v63  }
0x20: {  	_ =	swait.ge @p0 [sflag:s21], $0x400  }
0x21: {  	s23 =	simm.s32 $0x1410;
	[sflag:s21] =	ssyncset.done @p0 $0x0  }
0x22: {  	s22 =	simm.s32 @p0 $0x6290;
	[sflag:s21] =	ssyncadd.s32 @p0 $0xFFFFFC00;
	s21 =	simm.s32 @p0 $0x80  }
0x23: {  	[tilespmem:s22], [sflag:$0x1] =	stream.indirect.gather @p0 [hbm4b:s4+s21], $0x8, s23, s21, $0xb8;
	[tilespmem:$0x7E50] =	vst v63  }
0x24: {  	s24 =	simm.s32 @!p0 $0x1;
	s22 =	simm.s32 @p0 $0x6690  }
0x25: {  	[spmem:s2] =	stream.indirect.scatter.add.f32 @p0 [tilespmem:s22], [sflag:$0x3], $0x8, s20, s21, $0xb8;
	[tilespmem:$0x7E50] =	vst v63  }
0x26: {  	_ =	swait.ge @!p0 [sflag:s24], $0x400  }
0x27: {  	s22 =	simm.s32 @!p0 $0x4;
	[sflag:s24] =	ssyncset.done @!p0 $0x0  }
0x28: {  	s21 =	simm.s32 @!p0 $0x80;
	[sflag:s24] =	ssyncadd.s32 @!p0 $0xFFFFFC00;
	s24 =	simm.s32 @!p0 $0x6690  }
0x29: {  	[tilespmem:s24], [sflag:$0x2] =	stream.indirect.gather @!p0 [hbm4b:s4+s21], $0x8, s23, s21, $0xb8;
	[tilespmem:$0x7E50] =	vst v63  }
0x2a: {  	s31 =	simm.s32 $0x1;
	s22 =	simm.s32 @p0 $0x3;
	s23 =	simm.s32 @!p0 $0x6290  }
0x2b: {  	[spmem:s2] =	stream.indirect.scatter.add.f32 @!p0 [tilespmem:s23], [sflag:$0x4], $0x8, s20, s21, $0xb8;
	[tilespmem:$0x7E50] =	vst v63  }
0x2c: {  	s24 =	sand.u32 $0x1, s31;
	s23 =	simm.s32 $0x2;
	_ =	swait.ge [sflag:s22], $0x400  }
0x2d: {  	s20 =	simm.s32 $0x1490;
	s21 =	simm.s32 $0x3B90;
	[sflag:s22] =	ssyncset.done $0x0  }
.LBB2_2:
0x2e: {  	p1 =	seq.s32 s24, $0x1  }
0x2f: {  	[sflag:s22] =	ssyncadd.s32 $0xFFFFFC00;
	s24 =	smov.u32 s23;
	s23 =	sadd.s32 $0x1, s23  }
0x30: {  	p0 =	sne.s32 s23, $0x4E;
	s25 =	simm.s32 @p1 $0x2;
	s22 =	simm.s32 @!p1 $0x4  }
0x31: {  	_ =	swait.ge @p1 [sflag:s25], $0x400  }
0x32: {  	[sflag:s25] =	ssyncset.done @p1 $0x0  }
0x33: {  	s26 =	simm.s32 @p1 $0x6290;
	[sflag:s25] =	ssyncadd.s32 @p1 $0xFFFFFC00;
	s25 =	simm.s32 @p1 $0x80  }
0x34: {  	[tilespmem:s26], [sflag:$0x1] =	stream.indirect.gather @p1 [hbm4b:s4+s25], $0x8, s20, s25, $0xb8;
	[tilespmem:$0x7E50] =	vst v63  }
0x35: {  	s28 =	simm.s32 @!p1 $0x1;
	s26 =	simm.s32 @p1 $0x6690  }
0x36: {  	[spmem:s2] =	stream.indirect.scatter.add.f32 @p1 [tilespmem:s26], [sflag:$0x3], $0x8, s21, s25, $0xb8;
	[tilespmem:$0x7E50] =	vst v63  }
0x37: {  	_ =	swait.ge @!p1 [sflag:s28], $0x400  }
0x38: {  	[sflag:s28] =	ssyncset.done @!p1 $0x0  }
0x39: {  	s25 =	simm.s32 @!p1 $0x80;
	s26 =	simm.s32 @!p1 $0x6690;
	[sflag:s28] =	ssyncadd.s32 @!p1 $0xFFFFFC00  }
0x3a: {  	[tilespmem:s26], [sflag:$0x2] =	stream.indirect.gather @!p1 [hbm4b:s4+s25], $0x8, s20, s25, $0xb8;
	[tilespmem:$0x7E50] =	vst v63  }
.Ltmp0:
0x3b: {  	_ = 	snop;
	(pc) =	sbr.rel @p0 .LBB2_2-.Ltmp0, $4  }
0x3c: {  	s22 =	simm.s32 @p1 $0x3;
	s26 =	simm.s32 @!p1 $0x6290  }
0x3d: {  	[spmem:s2] =	stream.indirect.scatter.add.f32 @!p1 [tilespmem:s26], [sflag:$0x4], $0x8, s21, s25, $0xb8;
	[tilespmem:$0x7E50] =	vst v63  }
0x3e: {  	s20 =	sadd.s32 $0x80, s20;
	_ =	swait.ge [sflag:s22], $0x400  }
0x3f: {  	s24 =	sand.u32 $0x1, s24;
	s21 =	sadd.s32 $0x80, s21;
	[sflag:s22] =	ssyncset.done $0x0  }
0x40: {  	p0 =	seq.s32 s24, $0x1  }
0x41: {  	[sflag:s22] =	ssyncadd.s32 $0xFFFFFC00;
	s22 =	simm.s32 @p0 $0x2  }
0x42: {  	_ =	swait.ge @p0 [sflag:s22], $0x400  }
0x43: {  	[sflag:s22] =	ssyncset.done @p0 $0x0  }
0x44: {  	s23 =	simm.s32 @p0 $0x6290;
	[sflag:s22] =	ssyncadd.s32 @p0 $0xFFFFFC00;
	s22 =	simm.s32 @p0 $0x80  }
0x45: {  	[tilespmem:s23], [sflag:$0x1] =	stream.indirect.gather @p0 [hbm4b:s4+s22], $0x8, s20, s22, $0xb8;
	[tilespmem:$0x7E50] =	vst v63  }
0x46: {  	s24 =	simm.s32 @!p0 $0x1;
	s23 =	simm.s32 @p0 $0x6690  }
0x47: {  	[spmem:s2] =	stream.indirect.scatter.add.f32 @p0 [tilespmem:s23], [sflag:$0x3], $0x8, s21, s22, $0xb8;
	[tilespmem:$0x7E50] =	vst v63  }
0x48: {  	_ =	swait.ge @!p0 [sflag:s24], $0x400  }
0x49: {  	s22 =	simm.s32 @!p0 $0x4;
	[sflag:s24] =	ssyncset.done @!p0 $0x0  }
0x4a: {  	s23 =	simm.s32 @!p0 $0x80;
	[sflag:s24] =	ssyncadd.s32 @!p0 $0xFFFFFC00;
	s24 =	simm.s32 @!p0 $0x6690  }
0x4b: {  	[tilespmem:s24], [sflag:$0x2] =	stream.indirect.gather @!p0 [hbm4b:s4+s23], $0x8, s20, s23, $0xb8;
	[tilespmem:$0x7E50] =	vst v63  }
0x4c: {  	s22 =	simm.s32 @p0 $0x3;
	s20 =	simm.s32 @!p0 $0x6290  }
0x4d: {  	[spmem:s2] =	stream.indirect.scatter.add.f32 @!p0 [tilespmem:s20], [sflag:$0x4], $0x8, s21, s23, $0xb8;
	[tilespmem:$0x7E50] =	vst v63  }
0x4e: {  	_ =	swait.ge [sflag:s22], $0x400  }
0x4f: {  	[sflag:s22] =	ssyncset.done $0x0  }
0x50: {  	[sflag:s22] =	ssyncadd.s32 $0xFFFFFC00  }
0x51: {  	_ =	swait.ge [sflag:s16], $0x400  }
0x52: {  	[sflag:s16] =	ssyncset.done $0x0  }
0x53: {  	[sflag:s16] =	ssyncadd.s32 $0xFFFFFC00  }
0x54: {  	[spmem:s2] =	stream.indirect.scatter.add.f32 [tilespmem:s15], [sflag:$0x4], $0x8, s17, s14, $0xb8;
	[tilespmem:$0x7E50] =	vst v63  }
0x55: {  	_ =	swait.ge [sflag:s18], $0x400  }
0x56: {  	[sflag:s18] =	ssyncset.done $0x0  }
0x57: {  	[sflag:s18] =	ssyncadd.s32 $0xFFFFFC00  }
0x58: {  	[bflag:$0x0] =	sbarrier.arrive $0xFFFF  }
0x59: {  	[tilespmem:s11], [sflag:$0x3] =	stream.linear.gather [spmem:s6], $0x13C0, $0x38;
	[tilespmem:$0x7E50] =	vst v63  }
0x5a: {  	s19 =	sadd.s32 $0x1, s19;
	_ =	swait.ge [sflag:s12], $0x13C0  }
0x5b: {  	p0 =	sne.s32 s19, s10;
	[sflag:s12] =	ssyncset.done $0x0  }
.Ltmp1:
0x5c: {  	[sflag:s12] =	ssyncadd.s32 $0xFFFFEC40;
	(pc) =	sbr.rel @p0 .LBB2_1-.Ltmp1, $4  }
0x5d: {  	[hbm4b:s9+s3] =	stream.linear.scatter [tilespmem:s11], [sflag:$0x3], $0x13C0, $0x38;
	[tilespmem:$0x7E50] =	vst v63  }
0x5e: {  	_ =	swait.ge [sflag:s12], $0x13C0  }
0x5f: {  	[sflag:s12] =	ssyncset.done $0x0  }
0x60: {  	[sflag:s12] =	ssyncadd.s32 $0xFFFFEC40  }
0x61: {  	_ =	sfence.sel $0x180000  }
0x62: {  	[bflag:$0x0] =	sbarrier.arrive $0xFFFF  }
0x63: {  	p0 =	sne.s32 s0, $0x0;
	_ =	strace $0x90000050  }
0x64: {  	s0 =	sadd.s32 @!p0 $0x100000, s1;
	[bflag:$0x2] =	sbarrier.arrive $0xFFFF  }
0x65: {  	[sflag:s0] =	ssyncadd.tile.s32 @!p0 $0x1;
	_ =	shalt  }
.Lfunc_end2:
_tile_overlayer_lowered:
.L_overlay_start_2:
0x66: {  	(tag) =	ssettag $0x2  }
0x67: {  	s0 =	rddreg [dreg:$0x0];
	s2 =	stileid.u32  }
0x68: {  	s1 =	rddreg [dreg:$0x1];
	p0 =	sne.s32 s2, $0x0  }
0x69: {  	s3 =	rddreg [dreg:$0x2];
	[bflag:$0x3] =	sbarrier.arrive $0xFFFF;
	s2 =	simm.s32 @!p0 $0x1C03  }
0x6a: {  	[timem:s3], [sflag:s2] =	dma.local @!p0 [hbm:s0], s1  }
0x6b: {  	s0 =	simm.s32 @!p0 $0x3  }
0x6c: {  	_ =	swait.ge @!p0 [sflag:s0], s1  }
0x6d: {  	s1 =	ssub.s32 @!p0 $0x0, s1;
	[sflag:s0] =	ssyncset.done @!p0 $0x0  }
0x6e: {  	[sflag:s0] =	ssyncadd.s32 @!p0 s1  }
0x6f: {  	[bflag:$0x3] =	sbarrier.arrive $0xFFFF  }
0x70: {  	_ =	shalt  }

</sc_bundles>
